<compile_context>
chip_gen: v7x
topology: tpu7x:2x2x1
jax: 0.10.2.dev20260603
libtpu: 0.0.44.dev20260713+nightly
codegen_flags: <defaults>
</compile_context>

<pallas_src>
import functools

import jax
import jax.numpy as jnp
from jax import lax
from jax.experimental import pallas as pl
from jax.experimental.pallas import tpu as pltpu
from jax.experimental.pallas import tpu_sc as plsc

_NC = 2
_NS = 16
_NW = _NC * _NS
_C = 16
_NB = 4


def kernel(x, pos_table):
    B, S, D = x.shape
    V = pos_table.shape[0]
    rows = B * S
    rows_per_w = rows // _NW
    ch = _C * D
    n_chunks = rows_per_w // _C
    n_blocks = n_chunks // _NB

    xf = x.reshape(-1)
    pf = pos_table.reshape(-1)

    mesh = plsc.VectorSubcoreMesh(core_axis_name="c", subcore_axis_name="s")

    scratch = (
        [pltpu.VMEM((ch,), jnp.float32) for _ in range(2 * _NB)]
        + [pltpu.SemaphoreType.DMA for _ in range(3 * _NB)]
    )

    @functools.partial(
        pl.kernel,
        mesh=mesh,
        out_type=jax.ShapeDtypeStruct((rows * D,), jnp.float32),
        scratch_types=scratch,
    )
    def k(x_hbm, p_hbm, o_hbm, *bufs):
        xb = bufs[0:_NB]
        pb = bufs[_NB:2 * _NB]
        sx = bufs[2 * _NB:3 * _NB]
        sp = bufs[3 * _NB:4 * _NB]
        so = bufs[4 * _NB:5 * _NB]

        wid = lax.axis_index("s") * _NC + lax.axis_index("c")
        row0 = wid * rows_per_w
        xbase = row0 * D
        pbase = lax.rem(row0, V) * D

        def start_load(ci, b):
            pltpu.async_copy(x_hbm.at[pl.ds(xbase + ci * ch, ch)], xb[b], sx[b])
            pltpu.async_copy(p_hbm.at[pl.ds(pbase + ci * ch, ch)], pb[b], sp[b])

        def wait_load(b):
            pltpu.make_async_copy(x_hbm.at[pl.ds(xbase, ch)], xb[b], sx[b]).wait()
            pltpu.make_async_copy(p_hbm.at[pl.ds(pbase, ch)], pb[b], sp[b]).wait()

        def start_store(ci, b):
            pltpu.async_copy(xb[b], o_hbm.at[pl.ds(xbase + ci * ch, ch)], so[b])

        def wait_store(b):
            pltpu.make_async_copy(xb[b], o_hbm.at[pl.ds(xbase, ch)], so[b]).wait()

        def add_chunk(b):
            xv, pv = xb[b], pb[b]

            def body(j, c2):
                base = j * 64
                for t in range(4):
                    sl = pl.ds(base + t * 16, 16)
                    xv[sl] = xv[sl] + pv[sl]
                return c2

            lax.fori_loop(0, ch // 64, body, 0)

        for b in range(_NB - 1):
            start_load(b, b)

        start_load(_NB - 1, _NB - 1)
        wait_load(0)
        add_chunk(0)
        start_store(0, 0)
        for b in range(1, _NB):
            ab = (b + _NB - 1) % _NB
            wait_store(ab)
            start_load(b + _NB - 1, ab)
            wait_load(b)
            add_chunk(b)
            start_store(b, b)

        def block(i, carry):
            for b in range(_NB):
                ci = i * _NB + b
                ab = (b + _NB - 1) % _NB
                wait_store(ab)
                start_load(ci + _NB - 1, ab)
                wait_load(b)
                add_chunk(b)
                start_store(ci, b)
            return carry

        lax.fori_loop(1, n_blocks - 1, block, 0)

        ci0 = (n_blocks - 1) * _NB
        ab = (_NB - 1) % _NB
        wait_store(ab)
        start_load(ci0 + _NB - 1, ab)
        wait_load(0)
        add_chunk(0)
        start_store(ci0, 0)
        for b in range(1, _NB):
            wait_load(b)
            add_chunk(b)
            start_store(ci0 + b, b)

        for b in range(_NB):
            wait_store(b)

    return k(xf, pf).reshape(B, S, D)

# --- scband reference (transcript-rebuilt; emitter-appended) ---
"""Pipeline reference for scband-positional-encoding-33397665693823 (READ-ONLY COPY).

The authoritative reference and input builder live on the scoring server;
editing this copy changes nothing except your own understanding.
"""

import jax, jax.numpy as jnp
import numpy as np

MAX_LEN = 8192
D_MODEL = 768

def setup_inputs(seed: int = 0) -> dict:
    key = jax.random.key(seed)
    k1, k2 = jax.random.split(key)
    x = jax.random.normal(k1, (4, 8192, D_MODEL), dtype=jnp.float32)
    # Keras Embedding default init: uniform(-0.05, 0.05)
    pos_table = jax.random.uniform(k2, (MAX_LEN, D_MODEL), dtype=jnp.float32, minval=-0.05, maxval=0.05)
    return {"x": x, "pos_table": pos_table}

def reference(x, pos_table):
    seq_len = x.shape[1]
    positions = jnp.arange(seq_len)
    pos = jnp.take(pos_table, positions, axis=0)  # [S, d_model] embedding gather
    return x + pos[None, :, :]

if __name__ == "__main__":
    import jax
    _d = setup_inputs()
    print(jax.jit(kernel)(*tuple(_d.values())))

</pallas_src>

<mosaic_0001>
#map = affine_map<(d0, d1) -> (0)>
module attributes {stable_mosaic.version = 14 : i64} {
  func.func @k(%arg0: i32, %arg1: i32, %arg2: memref<25165824xf32, #tpu.memory_space<hbm>>, %arg3: memref<6291456xf32, #tpu.memory_space<hbm>>, %arg4: memref<25165824xf32, #tpu.memory_space<hbm>>, %arg5: memref<12288xf32, #tpu.memory_space<vmem>>, %arg6: memref<12288xf32, #tpu.memory_space<vmem>>, %arg7: memref<12288xf32, #tpu.memory_space<vmem>>, %arg8: memref<12288xf32, #tpu.memory_space<vmem>>, %arg9: memref<12288xf32, #tpu.memory_space<vmem>>, %arg10: memref<12288xf32, #tpu.memory_space<vmem>>, %arg11: memref<12288xf32, #tpu.memory_space<vmem>>, %arg12: memref<12288xf32, #tpu.memory_space<vmem>>, %arg13: memref<!tpu.dma_semaphore, #tpu.memory_space<semaphore_mem>>, %arg14: memref<!tpu.dma_semaphore, #tpu.memory_space<semaphore_mem>>, %arg15: memref<!tpu.dma_semaphore, #tpu.memory_space<semaphore_mem>>, %arg16: memref<!tpu.dma_semaphore, #tpu.memory_space<semaphore_mem>>, %arg17: memref<!tpu.dma_semaphore, #tpu.memory_space<semaphore_mem>>, %arg18: memref<!tpu.dma_semaphore, #tpu.memory_space<semaphore_mem>>, %arg19: memref<!tpu.dma_semaphore, #tpu.memory_space<semaphore_mem>>, %arg20: memref<!tpu.dma_semaphore, #tpu.memory_space<semaphore_mem>>, %arg21: memref<!tpu.dma_semaphore, #tpu.memory_space<semaphore_mem>>, %arg22: memref<!tpu.dma_semaphore, #tpu.memory_space<semaphore_mem>>, %arg23: memref<!tpu.dma_semaphore, #tpu.memory_space<semaphore_mem>>, %arg24: memref<!tpu.dma_semaphore, #tpu.memory_space<semaphore_mem>>) attributes {dimension_semantics = [#tpu.dimension_semantics<core_parallel>, #tpu.dimension_semantics<subcore_parallel>], iteration_bounds = array<i64: 2, 16>, scalar_prefetch = 0 : i64, scratch_operands = 20 : i64, tpu.core_type = #tpu.core_type<sc_vector_subcore>, window_params = [{transform_indices = #map}, {transform_indices = #map}, {transform_indices = #map}]} {
    %mul3A = arith.constant 2 : i32
    %mul3A_0 = arith.muli %arg1, %mul3A : i32
    %add3A = arith.addi %mul3A_0, %arg0 : i32
    %mul3A_1 = arith.constant 1024 : i32
    %mul3A_2 = arith.muli %add3A, %mul3A_1 : i32
    %mul3A_3 = arith.constant 768 : i32
    %mul3A_4 = arith.muli %mul3A_2, %mul3A_3 : i32
    %rem3A = arith.constant 8192 : i32
    %rem3A_5 = arith.remsi %mul3A_2, %rem3A : i32
    %mul3A_6 = arith.constant 768 : i32
    %mul3A_7 = arith.muli %rem3A_5, %mul3A_6 : i32
    %add3A_8 = arith.constant 0 : i32
    %add3A_9 = arith.addi %mul3A_4, %add3A_8 : i32
    %dma_start3A = tpu.memref_slice %arg2[%add3A_9] : memref<25165824xf32, #tpu.memory_space<hbm>> -> memref<12288xf32, #tpu.memory_space<hbm>>
    %dma_start3A_10 = tpu.memref_slice %arg2[%add3A_9] : memref<25165824xf32, #tpu.memory_space<hbm>> -> memref<12288xf32, #tpu.memory_space<hbm>>
    tpu.enqueue_dma source(%dma_start3A_10 : memref<12288xf32, #tpu.memory_space<hbm>>) target(%arg5 : memref<12288xf32, #tpu.memory_space<vmem>>) target_semaphore(%arg13 : memref<!tpu.dma_semaphore, #tpu.memory_space<semaphore_mem>>)
    %add3A_11 = arith.constant 0 : i32
    %add3A_12 = arith.addi %mul3A_7, %add3A_11 : i32
    %dma_start3A_13 = tpu.memref_slice %arg3[%add3A_12] : memref<6291456xf32, #tpu.memory_space<hbm>> -> memref<12288xf32, #tpu.memory_space<hbm>>
    %dma_start3A_14 = tpu.memref_slice %arg3[%add3A_12] : memref<6291456xf32, #tpu.memory_space<hbm>> -> memref<12288xf32, #tpu.memory_space<hbm>>
    tpu.enqueue_dma source(%dma_start3A_14 : memref<12288xf32, #tpu.memory_space<hbm>>) target(%arg9 : memref<12288xf32, #tpu.memory_space<vmem>>) target_semaphore(%arg17 : memref<!tpu.dma_semaphore, #tpu.memory_space<semaphore_mem>>)
    %add3A_15 = arith.constant 12288 : i32
    %add3A_16 = arith.addi %mul3A_4, %add3A_15 : i32
    %dma_start3A_17 = tpu.memref_slice %arg2[%add3A_16] : memref<25165824xf32, #tpu.memory_space<hbm>> -> memref<12288xf32, #tpu.memory_space<hbm>>
    %dma_start3A_18 = tpu.memref_slice %arg2[%add3A_16] : memref<25165824xf32, #tpu.memory_space<hbm>> -> memref<12288xf32, #tpu.memory_space<hbm>>
    tpu.enqueue_dma source(%dma_start3A_18 : memref<12288xf32, #tpu.memory_space<hbm>>) target(%arg6 : memref<12288xf32, #tpu.memory_space<vmem>>) target_semaphore(%arg14 : memref<!tpu.dma_semaphore, #tpu.memory_space<semaphore_mem>>)
    %add3A_19 = arith.constant 12288 : i32
    %add3A_20 = arith.addi %mul3A_7, %add3A_19 : i32
    %dma_start3A_21 = tpu.memref_slice %arg3[%add3A_20] : memref<6291456xf32, #tpu.memory_space<hbm>> -> memref<12288xf32, #tpu.memory_space<hbm>>
    %dma_start3A_22 = tpu.memref_slice %arg3[%add3A_20] : memref<6291456xf32, #tpu.memory_space<hbm>> -> memref<12288xf32, #tpu.memory_space<hbm>>
    tpu.enqueue_dma source(%dma_start3A_22 : memref<12288xf32, #tpu.memory_space<hbm>>) target(%arg10 : memref<12288xf32, #tpu.memory_space<vmem>>) target_semaphore(%arg18 : memref<!tpu.dma_semaphore, #tpu.memory_space<semaphore_mem>>)
    %add3A_23 = arith.constant 24576 : i32
    %add3A_24 = arith.addi %mul3A_4, %add3A_23 : i32
    %dma_start3A_25 = tpu.memref_slice %arg2[%add3A_24] : memref<25165824xf32, #tpu.memory_space<hbm>> -> memref<12288xf32, #tpu.memory_space<hbm>>
    %dma_start3A_26 = tpu.memref_slice %arg2[%add3A_24] : memref<25165824xf32, #tpu.memory_space<hbm>> -> memref<12288xf32, #tpu.memory_space<hbm>>
    tpu.enqueue_dma source(%dma_start3A_26 : memref<12288xf32, #tpu.memory_space<hbm>>) target(%arg7 : memref<12288xf32, #tpu.memory_space<vmem>>) target_semaphore(%arg15 : memref<!tpu.dma_semaphore, #tpu.memory_space<semaphore_mem>>)
    %add3A_27 = arith.constant 24576 : i32
    %add3A_28 = arith.addi %mul3A_7, %add3A_27 : i32
    %dma_start3A_29 = tpu.memref_slice %arg3[%add3A_28] : memref<6291456xf32, #tpu.memory_space<hbm>> -> memref<12288xf32, #tpu.memory_space<hbm>>
    %dma_start3A_30 = tpu.memref_slice %arg3[%add3A_28] : memref<6291456xf32, #tpu.memory_space<hbm>> -> memref<12288xf32, #tpu.memory_space<hbm>>
    tpu.enqueue_dma source(%dma_start3A_30 : memref<12288xf32, #tpu.memory_space<hbm>>) target(%arg11 : memref<12288xf32, #tpu.memory_space<vmem>>) target_semaphore(%arg19 : memref<!tpu.dma_semaphore, #tpu.memory_space<semaphore_mem>>)
    %add3A_31 = arith.constant 36864 : i32
    %add3A_32 = arith.addi %mul3A_4, %add3A_31 : i32
    %dma_start3A_33 = tpu.memref_slice %arg2[%add3A_32] : memref<25165824xf32, #tpu.memory_space<hbm>> -> memref<12288xf32, #tpu.memory_space<hbm>>
    %dma_start3A_34 = tpu.memref_slice %arg2[%add3A_32] : memref<25165824xf32, #tpu.memory_space<hbm>> -> memref<12288xf32, #tpu.memory_space<hbm>>
    tpu.enqueue_dma source(%dma_start3A_34 : memref<12288xf32, #tpu.memory_space<hbm>>) target(%arg8 : memref<12288xf32, #tpu.memory_space<vmem>>) target_semaphore(%arg16 : memref<!tpu.dma_semaphore, #tpu.memory_space<semaphore_mem>>)
    %add3A_35 = arith.constant 36864 : i32
    %add3A_36 = arith.addi %mul3A_7, %add3A_35 : i32
    %dma_start3A_37 = tpu.memref_slice %arg3[%add3A_36] : memref<6291456xf32, #tpu.memory_space<hbm>> -> memref<12288xf32, #tpu.memory_space<hbm>>
    %dma_start3A_38 = tpu.memref_slice %arg3[%add3A_36] : memref<6291456xf32, #tpu.memory_space<hbm>> -> memref<12288xf32, #tpu.memory_space<hbm>>
    tpu.enqueue_dma source(%dma_start3A_38 : memref<12288xf32, #tpu.memory_space<hbm>>) target(%arg12 : memref<12288xf32, #tpu.memory_space<vmem>>) target_semaphore(%arg20 : memref<!tpu.dma_semaphore, #tpu.memory_space<semaphore_mem>>)
    %dma_wait3A = tpu.memref_slice %arg2[%mul3A_4] : memref<25165824xf32, #tpu.memory_space<hbm>> -> memref<12288xf32, #tpu.memory_space<hbm>>
    %dma_wait3A_39 = tpu.memref_slice %arg2[%mul3A_4] : memref<25165824xf32, #tpu.memory_space<hbm>> -> memref<12288xf32, #tpu.memory_space<hbm>>
    tpu.wait_dma2 semaphore(%arg13 : memref<!tpu.dma_semaphore, #tpu.memory_space<semaphore_mem>>) src(%dma_wait3A_39 : memref<12288xf32, #tpu.memory_space<hbm>>) dst(%arg5 : memref<12288xf32, #tpu.memory_space<vmem>>)
    %dma_wait3A_40 = tpu.memref_slice %arg3[%mul3A_7] : memref<6291456xf32, #tpu.memory_space<hbm>> -> memref<12288xf32, #tpu.memory_space<hbm>>
    %dma_wait3A_41 = tpu.memref_slice %arg3[%mul3A_7] : memref<6291456xf32, #tpu.memory_space<hbm>> -> memref<12288xf32, #tpu.memory_space<hbm>>
    tpu.wait_dma2 semaphore(%arg17 : memref<!tpu.dma_semaphore, #tpu.memory_space<semaphore_mem>>) src(%dma_wait3A_41 : memref<12288xf32, #tpu.memory_space<hbm>>) dst(%arg9 : memref<12288xf32, #tpu.memory_space<vmem>>)
    %scan3A = arith.constant 0 : i32
    %scan3A_42 = arith.constant 0 : i32
    %scan3A_43 = arith.constant 192 : i32
    %scan3A_44 = arith.addi %scan3A_42, %scan3A_43 : i32
    %scan3A_45 = arith.constant 1 : i32
    scf.for %scan3A_203 = %scan3A_42 to %scan3A_44 step %scan3A_45  : i32 {
      %mul3A_204 = arith.constant 64 : i32
      %mul3A_205 = arith.muli %scan3A_203, %mul3A_204 : i32
      %add3A_206 = arith.constant 0 : i32
      %add3A_207 = arith.addi %mul3A_205, %add3A_206 : i32
      %get3A = arith.index_cast %add3A_207 : i32 to index
      %get3A_208 = tpu.vector_load %arg5[%get3A] {strides = array<i32>} : memref<12288xf32, #tpu.memory_space<vmem>>, vector<16xf32>,
      %get3A_209 = vector.shape_cast %get3A_208 : vector<16xf32> to vector<16xf32>
      %get3A_210 = arith.index_cast %add3A_207 : i32 to index
      %get3A_211 = tpu.vector_load %arg9[%get3A_210] {strides = array<i32>} : memref<12288xf32, #tpu.memory_space<vmem>>, vector<16xf32>,
      %get3A_212 = vector.shape_cast %get3A_211 : vector<16xf32> to vector<16xf32>
      %add3A_213 = arith.addf %get3A_209, %get3A_212 : vector<16xf32>
      %swap3A = arith.index_cast %add3A_207 : i32 to index
      %swap3A_214 = tpu.vector_load %arg5[%swap3A] {strides = array<i32>} : memref<12288xf32, #tpu.memory_space<vmem>>, vector<16xf32>,
      %swap3A_215 = vector.shape_cast %swap3A_214 : vector<16xf32> to vector<16xf32>
      %swap3A_216 = vector.shape_cast %add3A_213 : vector<16xf32> to vector<16xf32>
      tpu.vector_store %arg5[%swap3A], %swap3A_216 {strides = array<i32>} : memref<12288xf32, #tpu.memory_space<vmem>>, vector<16xf32>,
      %add3A_217 = arith.constant 16 : i32
      %add3A_218 = arith.addi %mul3A_205, %add3A_217 : i32
      %get3A_219 = arith.index_cast %add3A_218 : i32 to index
      %get3A_220 = tpu.vector_load %arg5[%get3A_219] {strides = array<i32>} : memref<12288xf32, #tpu.memory_space<vmem>>, vector<16xf32>,
      %get3A_221 = vector.shape_cast %get3A_220 : vector<16xf32> to vector<16xf32>
      %get3A_222 = arith.index_cast %add3A_218 : i32 to index
      %get3A_223 = tpu.vector_load %arg9[%get3A_222] {strides = array<i32>} : memref<12288xf32, #tpu.memory_space<vmem>>, vector<16xf32>,
      %get3A_224 = vector.shape_cast %get3A_223 : vector<16xf32> to vector<16xf32>
      %add3A_225 = arith.addf %get3A_221, %get3A_224 : vector<16xf32>
      %swap3A_226 = arith.index_cast %add3A_218 : i32 to index
      %swap3A_227 = tpu.vector_load %arg5[%swap3A_226] {strides = array<i32>} : memref<12288xf32, #tpu.memory_space<vmem>>, vector<16xf32>,
      %swap3A_228 = vector.shape_cast %swap3A_227 : vector<16xf32> to vector<16xf32>
      %swap3A_229 = vector.shape_cast %add3A_225 : vector<16xf32> to vector<16xf32>
      tpu.vector_store %arg5[%swap3A_226], %swap3A_229 {strides = array<i32>} : memref<12288xf32, #tpu.memory_space<vmem>>, vector<16xf32>,
      %add3A_230 = arith.constant 32 : i32
      %add3A_231 = arith.addi %mul3A_205, %add3A_230 : i32
      %get3A_232 = arith.index_cast %add3A_231 : i32 to index
      %get3A_233 = tpu.vector_load %arg5[%get3A_232] {strides = array<i32>} : memref<12288xf32, #tpu.memory_space<vmem>>, vector<16xf32>,
      %get3A_234 = vector.shape_cast %get3A_233 : vector<16xf32> to vector<16xf32>
      %get3A_235 = arith.index_cast %add3A_231 : i32 to index
      %get3A_236 = tpu.vector_load %arg9[%get3A_235] {strides = array<i32>} : memref<12288xf32, #tpu.memory_space<vmem>>, vector<16xf32>,
      %get3A_237 = vector.shape_cast %get3A_236 : vector<16xf32> to vector<16xf32>
      %add3A_238 = arith.addf %get3A_234, %get3A_237 : vector<16xf32>
      %swap3A_239 = arith.index_cast %add3A_231 : i32 to index
      %swap3A_240 = tpu.vector_load %arg5[%swap3A_239] {strides = array<i32>} : memref<12288xf32, #tpu.memory_space<vmem>>, vector<16xf32>,
      %swap3A_241 = vector.shape_cast %swap3A_240 : vector<16xf32> to vector<16xf32>
      %swap3A_242 = vector.shape_cast %add3A_238 : vector<16xf32> to vector<16xf32>
      tpu.vector_store %arg5[%swap3A_239], %swap3A_242 {strides = array<i32>} : memref<12288xf32, #tpu.memory_space<vmem>>, vector<16xf32>,
      %add3A_243 = arith.constant 48 : i32
      %add3A_244 = arith.addi %mul3A_205, %add3A_243 : i32
      %get3A_245 = arith.index_cast %add3A_244 : i32 to index
      %get3A_246 = tpu.vector_load %arg5[%get3A_245] {strides = array<i32>} : memref<12288xf32, #tpu.memory_space<vmem>>, vector<16xf32>,
      %get3A_247 = vector.shape_cast %get3A_246 : vector<16xf32> to vector<16xf32>
      %get3A_248 = arith.index_cast %add3A_244 : i32 to index
      %get3A_249 = tpu.vector_load %arg9[%get3A_248] {strides = array<i32>} : memref<12288xf32, #tpu.memory_space<vmem>>, vector<16xf32>,
      %get3A_250 = vector.shape_cast %get3A_249 : vector<16xf32> to vector<16xf32>
      %add3A_251 = arith.addf %get3A_247, %get3A_250 : vector<16xf32>
      %swap3A_252 = arith.index_cast %add3A_244 : i32 to index
      %swap3A_253 = tpu.vector_load %arg5[%swap3A_252] {strides = array<i32>} : memref<12288xf32, #tpu.memory_space<vmem>>, vector<16xf32>,
      %swap3A_254 = vector.shape_cast %swap3A_253 : vector<16xf32> to vector<16xf32>
      %swap3A_255 = vector.shape_cast %add3A_251 : vector<16xf32> to vector<16xf32>
      tpu.vector_store %arg5[%swap3A_252], %swap3A_255 {strides = array<i32>} : memref<12288xf32, #tpu.memory_space<vmem>>, vector<16xf32>,
    }
    %scan3A_46 = arith.constant 192 : i32
    %add3A_47 = arith.constant 0 : i32
    %add3A_48 = arith.addi %mul3A_4, %add3A_47 : i32
    %dma_start3A_49 = tpu.memref_slice %arg4[%add3A_48] : memref<25165824xf32, #tpu.memory_space<hbm>> -> memref<12288xf32, #tpu.memory_space<hbm>>
    %dma_start3A_50 = tpu.memref_slice %arg4[%add3A_48] : memref<25165824xf32, #tpu.memory_space<hbm>> -> memref<12288xf32, #tpu.memory_space<hbm>>
    tpu.enqueue_dma source(%arg5 : memref<12288xf32, #tpu.memory_space<vmem>>) target(%dma_start3A_50 : memref<12288xf32, #tpu.memory_space<hbm>>) target_semaphore(%arg21 : memref<!tpu.dma_semaphore, #tpu.memory_space<semaphore_mem>>)
    %dma_wait3A_51 = tpu.memref_slice %arg4[%mul3A_4] : memref<25165824xf32, #tpu.memory_space<hbm>> -> memref<12288xf32, #tpu.memory_space<hbm>>
    %dma_wait3A_52 = tpu.memref_slice %arg4[%mul3A_4] : memref<25165824xf32, #tpu.memory_space<hbm>> -> memref<12288xf32, #tpu.memory_space<hbm>>
    tpu.wait_dma2 semaphore(%arg21 : memref<!tpu.dma_semaphore, #tpu.memory_space<semaphore_mem>>) src(%arg5 : memref<12288xf32, #tpu.memory_space<vmem>>) dst(%dma_wait3A_52 : memref<12288xf32, #tpu.memory_space<hbm>>)
    %add3A_53 = arith.constant 49152 : i32
    %add3A_54 = arith.addi %mul3A_4, %add3A_53 : i32
    %dma_start3A_55 = tpu.memref_slice %arg2[%add3A_54] : memref<25165824xf32, #tpu.memory_space<hbm>> -> memref<12288xf32, #tpu.memory_space<hbm>>
    %dma_start3A_56 = tpu.memref_slice %arg2[%add3A_54] : memref<25165824xf32, #tpu.memory_space<hbm>> -> memref<12288xf32, #tpu.memory_space<hbm>>
    tpu.enqueue_dma source(%dma_start3A_56 : memref<12288xf32, #tpu.memory_space<hbm>>) target(%arg5 : memref<12288xf32, #tpu.memory_space<vmem>>) target_semaphore(%arg13 : memref<!tpu.dma_semaphore, #tpu.memory_space<semaphore_mem>>)
    %add3A_57 = arith.constant 49152 : i32
    %add3A_58 = arith.addi %mul3A_7, %add3A_57 : i32
    %dma_start3A_59 = tpu.memref_slice %arg3[%add3A_58] : memref<6291456xf32, #tpu.memory_space<hbm>> -> memref<12288xf32, #tpu.memory_space<hbm>>
    %dma_start3A_60 = tpu.memref_slice %arg3[%add3A_58] : memref<6291456xf32, #tpu.memory_space<hbm>> -> memref<12288xf32, #tpu.memory_space<hbm>>
    tpu.enqueue_dma source(%dma_start3A_60 : memref<12288xf32, #tpu.memory_space<hbm>>) target(%arg9 : memref<12288xf32, #tpu.memory_space<vmem>>) target_semaphore(%arg17 : memref<!tpu.dma_semaphore, #tpu.memory_space<semaphore_mem>>)
    %dma_wait3A_61 = tpu.memref_slice %arg2[%mul3A_4] : memref<25165824xf32, #tpu.memory_space<hbm>> -> memref<12288xf32, #tpu.memory_space<hbm>>
    %dma_wait3A_62 = tpu.memref_slice %arg2[%mul3A_4] : memref<25165824xf32, #tpu.memory_space<hbm>> -> memref<12288xf32, #tpu.memory_space<hbm>>
    tpu.wait_dma2 semaphore(%arg14 : memref<!tpu.dma_semaphore, #tpu.memory_space<semaphore_mem>>) src(%dma_wait3A_62 : memref<12288xf32, #tpu.memory_space<hbm>>) dst(%arg6 : memref<12288xf32, #tpu.memory_space<vmem>>)
    %dma_wait3A_63 = tpu.memref_slice %arg3[%mul3A_7] : memref<6291456xf32, #tpu.memory_space<hbm>> -> memref<12288xf32, #tpu.memory_space<hbm>>
    %dma_wait3A_64 = tpu.memref_slice %arg3[%mul3A_7] : memref<6291456xf32, #tpu.memory_space<hbm>> -> memref<12288xf32, #tpu.memory_space<hbm>>
    tpu.wait_dma2 semaphore(%arg18 : memref<!tpu.dma_semaphore, #tpu.memory_space<semaphore_mem>>) src(%dma_wait3A_64 : memref<12288xf32, #tpu.memory_space<hbm>>) dst(%arg10 : memref<12288xf32, #tpu.memory_space<vmem>>)
    %scan3A_65 = arith.constant 0 : i32
    %scan3A_66 = arith.constant 0 : i32
    %scan3A_67 = arith.constant 192 : i32
    %scan3A_68 = arith.addi %scan3A_66, %scan3A_67 : i32
    %scan3A_69 = arith.constant 1 : i32
    scf.for %scan3A_203 = %scan3A_66 to %scan3A_68 step %scan3A_69  : i32 {
      %mul3A_204 = arith.constant 64 : i32
      %mul3A_205 = arith.muli %scan3A_203, %mul3A_204 : i32
      %add3A_206 = arith.constant 0 : i32
      %add3A_207 = arith.addi %mul3A_205, %add3A_206 : i32
      %get3A = arith.index_cast %add3A_207 : i32 to index
      %get3A_208 = tpu.vector_load %arg6[%get3A] {strides = array<i32>} : memref<12288xf32, #tpu.memory_space<vmem>>, vector<16xf32>,
      %get3A_209 = vector.shape_cast %get3A_208 : vector<16xf32> to vector<16xf32>
      %get3A_210 = arith.index_cast %add3A_207 : i32 to index
      %get3A_211 = tpu.vector_load %arg10[%get3A_210] {strides = array<i32>} : memref<12288xf32, #tpu.memory_space<vmem>>, vector<16xf32>,
      %get3A_212 = vector.shape_cast %get3A_211 : vector<16xf32> to vector<16xf32>
      %add3A_213 = arith.addf %get3A_209, %get3A_212 : vector<16xf32>
      %swap3A = arith.index_cast %add3A_207 : i32 to index
      %swap3A_214 = tpu.vector_load %arg6[%swap3A] {strides = array<i32>} : memref<12288xf32, #tpu.memory_space<vmem>>, vector<16xf32>,
      %swap3A_215 = vector.shape_cast %swap3A_214 : vector<16xf32> to vector<16xf32>
      %swap3A_216 = vector.shape_cast %add3A_213 : vector<16xf32> to vector<16xf32>
      tpu.vector_store %arg6[%swap3A], %swap3A_216 {strides = array<i32>} : memref<12288xf32, #tpu.memory_space<vmem>>, vector<16xf32>,
      %add3A_217 = arith.constant 16 : i32
      %add3A_218 = arith.addi %mul3A_205, %add3A_217 : i32
      %get3A_219 = arith.index_cast %add3A_218 : i32 to index
      %get3A_220 = tpu.vector_load %arg6[%get3A_219] {strides = array<i32>} : memref<12288xf32, #tpu.memory_space<vmem>>, vector<16xf32>,
      %get3A_221 = vector.shape_cast %get3A_220 : vector<16xf32> to vector<16xf32>
      %get3A_222 = arith.index_cast %add3A_218 : i32 to index
      %get3A_223 = tpu.vector_load %arg10[%get3A_222] {strides = array<i32>} : memref<12288xf32, #tpu.memory_space<vmem>>, vector<16xf32>,
      %get3A_224 = vector.shape_cast %get3A_223 : vector<16xf32> to vector<16xf32>
      %add3A_225 = arith.addf %get3A_221, %get3A_224 : vector<16xf32>
      %swap3A_226 = arith.index_cast %add3A_218 : i32 to index
      %swap3A_227 = tpu.vector_load %arg6[%swap3A_226] {strides = array<i32>} : memref<12288xf32, #tpu.memory_space<vmem>>, vector<16xf32>,
      %swap3A_228 = vector.shape_cast %swap3A_227 : vector<16xf32> to vector<16xf32>
      %swap3A_229 = vector.shape_cast %add3A_225 : vector<16xf32> to vector<16xf32>
      tpu.vector_store %arg6[%swap3A_226], %swap3A_229 {strides = array<i32>} : memref<12288xf32, #tpu.memory_space<vmem>>, vector<16xf32>,
      %add3A_230 = arith.constant 32 : i32
      %add3A_231 = arith.addi %mul3A_205, %add3A_230 : i32
      %get3A_232 = arith.index_cast %add3A_231 : i32 to index
      %get3A_233 = tpu.vector_load %arg6[%get3A_232] {strides = array<i32>} : memref<12288xf32, #tpu.memory_space<vmem>>, vector<16xf32>,
      %get3A_234 = vector.shape_cast %get3A_233 : vector<16xf32> to vector<16xf32>
      %get3A_235 = arith.index_cast %add3A_231 : i32 to index
      %get3A_236 = tpu.vector_load %arg10[%get3A_235] {strides = array<i32>} : memref<12288xf32, #tpu.memory_space<vmem>>, vector<16xf32>,
      %get3A_237 = vector.shape_cast %get3A_236 : vector<16xf32> to vector<16xf32>
      %add3A_238 = arith.addf %get3A_234, %get3A_237 : vector<16xf32>
      %swap3A_239 = arith.index_cast %add3A_231 : i32 to index
      %swap3A_240 = tpu.vector_load %arg6[%swap3A_239] {strides = array<i32>} : memref<12288xf32, #tpu.memory_space<vmem>>, vector<16xf32>,
      %swap3A_241 = vector.shape_cast %swap3A_240 : vector<16xf32> to vector<16xf32>
      %swap3A_242 = vector.shape_cast %add3A_238 : vector<16xf32> to vector<16xf32>
      tpu.vector_store %arg6[%swap3A_239], %swap3A_242 {strides = array<i32>} : memref<12288xf32, #tpu.memory_space<vmem>>, vector<16xf32>,
      %add3A_243 = arith.constant 48 : i32
      %add3A_244 = arith.addi %mul3A_205, %add3A_243 : i32
      %get3A_245 = arith.index_cast %add3A_244 : i32 to index
      %get3A_246 = tpu.vector_load %arg6[%get3A_245] {strides = array<i32>} : memref<12288xf32, #tpu.memory_space<vmem>>, vector<16xf32>,
      %get3A_247 = vector.shape_cast %get3A_246 : vector<16xf32> to vector<16xf32>
      %get3A_248 = arith.index_cast %add3A_244 : i32 to index
      %get3A_249 = tpu.vector_load %arg10[%get3A_248] {strides = array<i32>} : memref<12288xf32, #tpu.memory_space<vmem>>, vector<16xf32>,
      %get3A_250 = vector.shape_cast %get3A_249 : vector<16xf32> to vector<16xf32>
      %add3A_251 = arith.addf %get3A_247, %get3A_250 : vector<16xf32>
      %swap3A_252 = arith.index_cast %add3A_244 : i32 to index
      %swap3A_253 = tpu.vector_load %arg6[%swap3A_252] {strides = array<i32>} : memref<12288xf32, #tpu.memory_space<vmem>>, vector<16xf32>,
      %swap3A_254 = vector.shape_cast %swap3A_253 : vector<16xf32> to vector<16xf32>
      %swap3A_255 = vector.shape_cast %add3A_251 : vector<16xf32> to vector<16xf32>
      tpu.vector_store %arg6[%swap3A_252], %swap3A_255 {strides = array<i32>} : memref<12288xf32, #tpu.memory_space<vmem>>, vector<16xf32>,
    }
    %scan3A_70 = arith.constant 192 : i32
    %add3A_71 = arith.constant 12288 : i32
    %add3A_72 = arith.addi %mul3A_4, %add3A_71 : i32
    %dma_start3A_73 = tpu.memref_slice %arg4[%add3A_72] : memref<25165824xf32, #tpu.memory_space<hbm>> -> memref<12288xf32, #tpu.memory_space<hbm>>
    %dma_start3A_74 = tpu.memref_slice %arg4[%add3A_72] : memref<25165824xf32, #tpu.memory_space<hbm>> -> memref<12288xf32, #tpu.memory_space<hbm>>
    tpu.enqueue_dma source(%arg6 : memref<12288xf32, #tpu.memory_space<vmem>>) target(%dma_start3A_74 : memref<12288xf32, #tpu.memory_space<hbm>>) target_semaphore(%arg22 : memref<!tpu.dma_semaphore, #tpu.memory_space<semaphore_mem>>)
    %dma_wait3A_75 = tpu.memref_slice %arg4[%mul3A_4] : memref<25165824xf32, #tpu.memory_space<hbm>> -> memref<12288xf32, #tpu.memory_space<hbm>>
    %dma_wait3A_76 = tpu.memref_slice %arg4[%mul3A_4] : memref<25165824xf32, #tpu.memory_space<hbm>> -> memref<12288xf32, #tpu.memory_space<hbm>>
    tpu.wait_dma2 semaphore(%arg22 : memref<!tpu.dma_semaphore, #tpu.memory_space<semaphore_mem>>) src(%arg6 : memref<12288xf32, #tpu.memory_space<vmem>>) dst(%dma_wait3A_76 : memref<12288xf32, #tpu.memory_space<hbm>>)
    %add3A_77 = arith.constant 61440 : i32
    %add3A_78 = arith.addi %mul3A_4, %add3A_77 : i32
    %dma_start3A_79 = tpu.memref_slice %arg2[%add3A_78] : memref<25165824xf32, #tpu.memory_space<hbm>> -> memref<12288xf32, #tpu.memory_space<hbm>>
    %dma_start3A_80 = tpu.memref_slice %arg2[%add3A_78] : memref<25165824xf32, #tpu.memory_space<hbm>> -> memref<12288xf32, #tpu.memory_space<hbm>>
    tpu.enqueue_dma source(%dma_start3A_80 : memref<12288xf32, #tpu.memory_space<hbm>>) target(%arg6 : memref<12288xf32, #tpu.memory_space<vmem>>) target_semaphore(%arg14 : memref<!tpu.dma_semaphore, #tpu.memory_space<semaphore_mem>>)
    %add3A_81 = arith.constant 61440 : i32
    %add3A_82 = arith.addi %mul3A_7, %add3A_81 : i32
    %dma_start3A_83 = tpu.memref_slice %arg3[%add3A_82] : memref<6291456xf32, #tpu.memory_space<hbm>> -> memref<12288xf32, #tpu.memory_space<hbm>>
    %dma_start3A_84 = tpu.memref_slice %arg3[%add3A_82] : memref<6291456xf32, #tpu.memory_space<hbm>> -> memref<12288xf32, #tpu.memory_space<hbm>>
    tpu.enqueue_dma source(%dma_start3A_84 : memref<12288xf32, #tpu.memory_space<hbm>>) target(%arg10 : memref<12288xf32, #tpu.memory_space<vmem>>) target_semaphore(%arg18 : memref<!tpu.dma_semaphore, #tpu.memory_space<semaphore_mem>>)
    %dma_wait3A_85 = tpu.memref_slice %arg2[%mul3A_4] : memref<25165824xf32, #tpu.memory_space<hbm>> -> memref<12288xf32, #tpu.memory_space<hbm>>
    %dma_wait3A_86 = tpu.memref_slice %arg2[%mul3A_4] : memref<25165824xf32, #tpu.memory_space<hbm>> -> memref<12288xf32, #tpu.memory_space<hbm>>
    tpu.wait_dma2 semaphore(%arg15 : memref<!tpu.dma_semaphore, #tpu.memory_space<semaphore_mem>>) src(%dma_wait3A_86 : memref<12288xf32, #tpu.memory_space<hbm>>) dst(%arg7 : memref<12288xf32, #tpu.memory_space<vmem>>)
    %dma_wait3A_87 = tpu.memref_slice %arg3[%mul3A_7] : memref<6291456xf32, #tpu.memory_space<hbm>> -> memref<12288xf32, #tpu.memory_space<hbm>>
    %dma_wait3A_88 = tpu.memref_slice %arg3[%mul3A_7] : memref<6291456xf32, #tpu.memory_space<hbm>> -> memref<12288xf32, #tpu.memory_space<hbm>>
    tpu.wait_dma2 semaphore(%arg19 : memref<!tpu.dma_semaphore, #tpu.memory_space<semaphore_mem>>) src(%dma_wait3A_88 : memref<12288xf32, #tpu.memory_space<hbm>>) dst(%arg11 : memref<12288xf32, #tpu.memory_space<vmem>>)
    %scan3A_89 = arith.constant 0 : i32
    %scan3A_90 = arith.constant 0 : i32
    %scan3A_91 = arith.constant 192 : i32
    %scan3A_92 = arith.addi %scan3A_90, %scan3A_91 : i32
    %scan3A_93 = arith.constant 1 : i32
    scf.for %scan3A_203 = %scan3A_90 to %scan3A_92 step %scan3A_93  : i32 {
      %mul3A_204 = arith.constant 64 : i32
      %mul3A_205 = arith.muli %scan3A_203, %mul3A_204 : i32
      %add3A_206 = arith.constant 0 : i32
      %add3A_207 = arith.addi %mul3A_205, %add3A_206 : i32
      %get3A = arith.index_cast %add3A_207 : i32 to index
      %get3A_208 = tpu.vector_load %arg7[%get3A] {strides = array<i32>} : memref<12288xf32, #tpu.memory_space<vmem>>, vector<16xf32>,
      %get3A_209 = vector.shape_cast %get3A_208 : vector<16xf32> to vector<16xf32>
      %get3A_210 = arith.index_cast %add3A_207 : i32 to index
      %get3A_211 = tpu.vector_load %arg11[%get3A_210] {strides = array<i32>} : memref<12288xf32, #tpu.memory_space<vmem>>, vector<16xf32>,
      %get3A_212 = vector.shape_cast %get3A_211 : vector<16xf32> to vector<16xf32>
      %add3A_213 = arith.addf %get3A_209, %get3A_212 : vector<16xf32>
      %swap3A = arith.index_cast %add3A_207 : i32 to index
      %swap3A_214 = tpu.vector_load %arg7[%swap3A] {strides = array<i32>} : memref<12288xf32, #tpu.memory_space<vmem>>, vector<16xf32>,
      %swap3A_215 = vector.shape_cast %swap3A_214 : vector<16xf32> to vector<16xf32>
      %swap3A_216 = vector.shape_cast %add3A_213 : vector<16xf32> to vector<16xf32>
      tpu.vector_store %arg7[%swap3A], %swap3A_216 {strides = array<i32>} : memref<12288xf32, #tpu.memory_space<vmem>>, vector<16xf32>,
      %add3A_217 = arith.constant 16 : i32
      %add3A_218 = arith.addi %mul3A_205, %add3A_217 : i32
      %get3A_219 = arith.index_cast %add3A_218 : i32 to index
      %get3A_220 = tpu.vector_load %arg7[%get3A_219] {strides = array<i32>} : memref<12288xf32, #tpu.memory_space<vmem>>, vector<16xf32>,
      %get3A_221 = vector.shape_cast %get3A_220 : vector<16xf32> to vector<16xf32>
      %get3A_222 = arith.index_cast %add3A_218 : i32 to index
      %get3A_223 = tpu.vector_load %arg11[%get3A_222] {strides = array<i32>} : memref<12288xf32, #tpu.memory_space<vmem>>, vector<16xf32>,
      %get3A_224 = vector.shape_cast %get3A_223 : vector<16xf32> to vector<16xf32>
      %add3A_225 = arith.addf %get3A_221, %get3A_224 : vector<16xf32>
      %swap3A_226 = arith.index_cast %add3A_218 : i32 to index
      %swap3A_227 = tpu.vector_load %arg7[%swap3A_226] {strides = array<i32>} : memref<12288xf32, #tpu.memory_space<vmem>>, vector<16xf32>,
      %swap3A_228 = vector.shape_cast %swap3A_227 : vector<16xf32> to vector<16xf32>
      %swap3A_229 = vector.shape_cast %add3A_225 : vector<16xf32> to vector<16xf32>
      tpu.vector_store %arg7[%swap3A_226], %swap3A_229 {strides = array<i32>} : memref<12288xf32, #tpu.memory_space<vmem>>, vector<16xf32>,
      %add3A_230 = arith.constant 32 : i32
      %add3A_231 = arith.addi %mul3A_205, %add3A_230 : i32
      %get3A_232 = arith.index_cast %add3A_231 : i32 to index
      %get3A_233 = tpu.vector_load %arg7[%get3A_232] {strides = array<i32>} : memref<12288xf32, #tpu.memory_space<vmem>>, vector<16xf32>,
      %get3A_234 = vector.shape_cast %get3A_233 : vector<16xf32> to vector<16xf32>
      %get3A_235 = arith.index_cast %add3A_231 : i32 to index
      %get3A_236 = tpu.vector_load %arg11[%get3A_235] {strides = array<i32>} : memref<12288xf32, #tpu.memory_space<vmem>>, vector<16xf32>,
      %get3A_237 = vector.shape_cast %get3A_236 : vector<16xf32> to vector<16xf32>
      %add3A_238 = arith.addf %get3A_234, %get3A_237 : vector<16xf32>
      %swap3A_239 = arith.index_cast %add3A_231 : i32 to index
      %swap3A_240 = tpu.vector_load %arg7[%swap3A_239] {strides = array<i32>} : memref<12288xf32, #tpu.memory_space<vmem>>, vector<16xf32>,
      %swap3A_241 = vector.shape_cast %swap3A_240 : vector<16xf32> to vector<16xf32>
      %swap3A_242 = vector.shape_cast %add3A_238 : vector<16xf32> to vector<16xf32>
      tpu.vector_store %arg7[%swap3A_239], %swap3A_242 {strides = array<i32>} : memref<12288xf32, #tpu.memory_space<vmem>>, vector<16xf32>,
      %add3A_243 = arith.constant 48 : i32
      %add3A_244 = arith.addi %mul3A_205, %add3A_243 : i32
      %get3A_245 = arith.index_cast %add3A_244 : i32 to index
      %get3A_246 = tpu.vector_load %arg7[%get3A_245] {strides = array<i32>} : memref<12288xf32, #tpu.memory_space<vmem>>, vector<16xf32>,
      %get3A_247 = vector.shape_cast %get3A_246 : vector<16xf32> to vector<16xf32>
      %get3A_248 = arith.index_cast %add3A_244 : i32 to index
      %get3A_249 = tpu.vector_load %arg11[%get3A_248] {strides = array<i32>} : memref<12288xf32, #tpu.memory_space<vmem>>, vector<16xf32>,
      %get3A_250 = vector.shape_cast %get3A_249 : vector<16xf32> to vector<16xf32>
      %add3A_251 = arith.addf %get3A_247, %get3A_250 : vector<16xf32>
      %swap3A_252 = arith.index_cast %add3A_244 : i32 to index
      %swap3A_253 = tpu.vector_load %arg7[%swap3A_252] {strides = array<i32>} : memref<12288xf32, #tpu.memory_space<vmem>>, vector<16xf32>,
      %swap3A_254 = vector.shape_cast %swap3A_253 : vector<16xf32> to vector<16xf32>
      %swap3A_255 = vector.shape_cast %add3A_251 : vector<16xf32> to vector<16xf32>
      tpu.vector_store %arg7[%swap3A_252], %swap3A_255 {strides = array<i32>} : memref<12288xf32, #tpu.memory_space<vmem>>, vector<16xf32>,
    }
    %scan3A_94 = arith.constant 192 : i32
    %add3A_95 = arith.constant 24576 : i32
    %add3A_96 = arith.addi %mul3A_4, %add3A_95 : i32
    %dma_start3A_97 = tpu.memref_slice %arg4[%add3A_96] : memref<25165824xf32, #tpu.memory_space<hbm>> -> memref<12288xf32, #tpu.memory_space<hbm>>
    %dma_start3A_98 = tpu.memref_slice %arg4[%add3A_96] : memref<25165824xf32, #tpu.memory_space<hbm>> -> memref<12288xf32, #tpu.memory_space<hbm>>
    tpu.enqueue_dma source(%arg7 : memref<12288xf32, #tpu.memory_space<vmem>>) target(%dma_start3A_98 : memref<12288xf32, #tpu.memory_space<hbm>>) target_semaphore(%arg23 : memref<!tpu.dma_semaphore, #tpu.memory_space<semaphore_mem>>)
    %dma_wait3A_99 = tpu.memref_slice %arg4[%mul3A_4] : memref<25165824xf32, #tpu.memory_space<hbm>> -> memref<12288xf32, #tpu.memory_space<hbm>>
    %dma_wait3A_100 = tpu.memref_slice %arg4[%mul3A_4] : memref<25165824xf32, #tpu.memory_space<hbm>> -> memref<12288xf32, #tpu.memory_space<hbm>>
    tpu.wait_dma2 semaphore(%arg23 : memref<!tpu.dma_semaphore, #tpu.memory_space<semaphore_mem>>) src(%arg7 : memref<12288xf32, #tpu.memory_space<vmem>>) dst(%dma_wait3A_100 : memref<12288xf32, #tpu.memory_space<hbm>>)
    %add3A_101 = arith.constant 73728 : i32
    %add3A_102 = arith.addi %mul3A_4, %add3A_101 : i32
    %dma_start3A_103 = tpu.memref_slice %arg2[%add3A_102] : memref<25165824xf32, #tpu.memory_space<hbm>> -> memref<12288xf32, #tpu.memory_space<hbm>>
    %dma_start3A_104 = tpu.memref_slice %arg2[%add3A_102] : memref<25165824xf32, #tpu.memory_space<hbm>> -> memref<12288xf32, #tpu.memory_space<hbm>>
    tpu.enqueue_dma source(%dma_start3A_104 : memref<12288xf32, #tpu.memory_space<hbm>>) target(%arg7 : memref<12288xf32, #tpu.memory_space<vmem>>) target_semaphore(%arg15 : memref<!tpu.dma_semaphore, #tpu.memory_space<semaphore_mem>>)
    %add3A_105 = arith.constant 73728 : i32
    %add3A_106 = arith.addi %mul3A_7, %add3A_105 : i32
    %dma_start3A_107 = tpu.memref_slice %arg3[%add3A_106] : memref<6291456xf32, #tpu.memory_space<hbm>> -> memref<12288xf32, #tpu.memory_space<hbm>>
    %dma_start3A_108 = tpu.memref_slice %arg3[%add3A_106] : memref<6291456xf32, #tpu.memory_space<hbm>> -> memref<12288xf32, #tpu.memory_space<hbm>>
    tpu.enqueue_dma source(%dma_start3A_108 : memref<12288xf32, #tpu.memory_space<hbm>>) target(%arg11 : memref<12288xf32, #tpu.memory_space<vmem>>) target_semaphore(%arg19 : memref<!tpu.dma_semaphore, #tpu.memory_space<semaphore_mem>>)
    %dma_wait3A_109 = tpu.memref_slice %arg2[%mul3A_4] : memref<25165824xf32, #tpu.memory_space<hbm>> -> memref<12288xf32, #tpu.memory_space<hbm>>
    %dma_wait3A_110 = tpu.memref_slice %arg2[%mul3A_4] : memref<25165824xf32, #tpu.memory_space<hbm>> -> memref<12288xf32, #tpu.memory_space<hbm>>
    tpu.wait_dma2 semaphore(%arg16 : memref<!tpu.dma_semaphore, #tpu.memory_space<semaphore_mem>>) src(%dma_wait3A_110 : memref<12288xf32, #tpu.memory_space<hbm>>) dst(%arg8 : memref<12288xf32, #tpu.memory_space<vmem>>)
    %dma_wait3A_111 = tpu.memref_slice %arg3[%mul3A_7] : memref<6291456xf32, #tpu.memory_space<hbm>> -> memref<12288xf32, #tpu.memory_space<hbm>>
    %dma_wait3A_112 = tpu.memref_slice %arg3[%mul3A_7] : memref<6291456xf32, #tpu.memory_space<hbm>> -> memref<12288xf32, #tpu.memory_space<hbm>>
    tpu.wait_dma2 semaphore(%arg20 : memref<!tpu.dma_semaphore, #tpu.memory_space<semaphore_mem>>) src(%dma_wait3A_112 : memref<12288xf32, #tpu.memory_space<hbm>>) dst(%arg12 : memref<12288xf32, #tpu.memory_space<vmem>>)
    %scan3A_113 = arith.constant 0 : i32
    %scan3A_114 = arith.constant 0 : i32
    %scan3A_115 = arith.constant 192 : i32
    %scan3A_116 = arith.addi %scan3A_114, %scan3A_115 : i32
    %scan3A_117 = arith.constant 1 : i32
    scf.for %scan3A_203 = %scan3A_114 to %scan3A_116 step %scan3A_117  : i32 {
      %mul3A_204 = arith.constant 64 : i32
      %mul3A_205 = arith.muli %scan3A_203, %mul3A_204 : i32
      %add3A_206 = arith.constant 0 : i32
      %add3A_207 = arith.addi %mul3A_205, %add3A_206 : i32
      %get3A = arith.index_cast %add3A_207 : i32 to index
      %get3A_208 = tpu.vector_load %arg8[%get3A] {strides = array<i32>} : memref<12288xf32, #tpu.memory_space<vmem>>, vector<16xf32>,
      %get3A_209 = vector.shape_cast %get3A_208 : vector<16xf32> to vector<16xf32>
      %get3A_210 = arith.index_cast %add3A_207 : i32 to index
      %get3A_211 = tpu.vector_load %arg12[%get3A_210] {strides = array<i32>} : memref<12288xf32, #tpu.memory_space<vmem>>, vector<16xf32>,
      %get3A_212 = vector.shape_cast %get3A_211 : vector<16xf32> to vector<16xf32>
      %add3A_213 = arith.addf %get3A_209, %get3A_212 : vector<16xf32>
      %swap3A = arith.index_cast %add3A_207 : i32 to index
      %swap3A_214 = tpu.vector_load %arg8[%swap3A] {strides = array<i32>} : memref<12288xf32, #tpu.memory_space<vmem>>, vector<16xf32>,
      %swap3A_215 = vector.shape_cast %swap3A_214 : vector<16xf32> to vector<16xf32>
      %swap3A_216 = vector.shape_cast %add3A_213 : vector<16xf32> to vector<16xf32>
      tpu.vector_store %arg8[%swap3A], %swap3A_216 {strides = array<i32>} : memref<12288xf32, #tpu.memory_space<vmem>>, vector<16xf32>,
      %add3A_217 = arith.constant 16 : i32
      %add3A_218 = arith.addi %mul3A_205, %add3A_217 : i32
      %get3A_219 = arith.index_cast %add3A_218 : i32 to index
      %get3A_220 = tpu.vector_load %arg8[%get3A_219] {strides = array<i32>} : memref<12288xf32, #tpu.memory_space<vmem>>, vector<16xf32>,
      %get3A_221 = vector.shape_cast %get3A_220 : vector<16xf32> to vector<16xf32>
      %get3A_222 = arith.index_cast %add3A_218 : i32 to index
      %get3A_223 = tpu.vector_load %arg12[%get3A_222] {strides = array<i32>} : memref<12288xf32, #tpu.memory_space<vmem>>, vector<16xf32>,
      %get3A_224 = vector.shape_cast %get3A_223 : vector<16xf32> to vector<16xf32>
      %add3A_225 = arith.addf %get3A_221, %get3A_224 : vector<16xf32>
      %swap3A_226 = arith.index_cast %add3A_218 : i32 to index
      %swap3A_227 = tpu.vector_load %arg8[%swap3A_226] {strides = array<i32>} : memref<12288xf32, #tpu.memory_space<vmem>>, vector<16xf32>,
      %swap3A_228 = vector.shape_cast %swap3A_227 : vector<16xf32> to vector<16xf32>
      %swap3A_229 = vector.shape_cast %add3A_225 : vector<16xf32> to vector<16xf32>
      tpu.vector_store %arg8[%swap3A_226], %swap3A_229 {strides = array<i32>} : memref<12288xf32, #tpu.memory_space<vmem>>, vector<16xf32>,
      %add3A_230 = arith.constant 32 : i32
      %add3A_231 = arith.addi %mul3A_205, %add3A_230 : i32
      %get3A_232 = arith.index_cast %add3A_231 : i32 to index
      %get3A_233 = tpu.vector_load %arg8[%get3A_232] {strides = array<i32>} : memref<12288xf32, #tpu.memory_space<vmem>>, vector<16xf32>,
      %get3A_234 = vector.shape_cast %get3A_233 : vector<16xf32> to vector<16xf32>
      %get3A_235 = arith.index_cast %add3A_231 : i32 to index
      %get3A_236 = tpu.vector_load %arg12[%get3A_235] {strides = array<i32>} : memref<12288xf32, #tpu.memory_space<vmem>>, vector<16xf32>,
      %get3A_237 = vector.shape_cast %get3A_236 : vector<16xf32> to vector<16xf32>
      %add3A_238 = arith.addf %get3A_234, %get3A_237 : vector<16xf32>
      %swap3A_239 = arith.index_cast %add3A_231 : i32 to index
      %swap3A_240 = tpu.vector_load %arg8[%swap3A_239] {strides = array<i32>} : memref<12288xf32, #tpu.memory_space<vmem>>, vector<16xf32>,
      %swap3A_241 = vector.shape_cast %swap3A_240 : vector<16xf32> to vector<16xf32>
      %swap3A_242 = vector.shape_cast %add3A_238 : vector<16xf32> to vector<16xf32>
      tpu.vector_store %arg8[%swap3A_239], %swap3A_242 {strides = array<i32>} : memref<12288xf32, #tpu.memory_space<vmem>>, vector<16xf32>,
      %add3A_243 = arith.constant 48 : i32
      %add3A_244 = arith.addi %mul3A_205, %add3A_243 : i32
      %get3A_245 = arith.index_cast %add3A_244 : i32 to index
      %get3A_246 = tpu.vector_load %arg8[%get3A_245] {strides = array<i32>} : memref<12288xf32, #tpu.memory_space<vmem>>, vector<16xf32>,
      %get3A_247 = vector.shape_cast %get3A_246 : vector<16xf32> to vector<16xf32>
      %get3A_248 = arith.index_cast %add3A_244 : i32 to index
      %get3A_249 = tpu.vector_load %arg12[%get3A_248] {strides = array<i32>} : memref<12288xf32, #tpu.memory_space<vmem>>, vector<16xf32>,
      %get3A_250 = vector.shape_cast %get3A_249 : vector<16xf32> to vector<16xf32>
      %add3A_251 = arith.addf %get3A_247, %get3A_250 : vector<16xf32>
      %swap3A_252 = arith.index_cast %add3A_244 : i32 to index
      %swap3A_253 = tpu.vector_load %arg8[%swap3A_252] {strides = array<i32>} : memref<12288xf32, #tpu.memory_space<vmem>>, vector<16xf32>,
      %swap3A_254 = vector.shape_cast %swap3A_253 : vector<16xf32> to vector<16xf32>
      %swap3A_255 = vector.shape_cast %add3A_251 : vector<16xf32> to vector<16xf32>
      tpu.vector_store %arg8[%swap3A_252], %swap3A_255 {strides = array<i32>} : memref<12288xf32, #tpu.memory_space<vmem>>, vector<16xf32>,
    }
    %scan3A_118 = arith.constant 192 : i32
    %add3A_119 = arith.constant 36864 : i32
    %add3A_120 = arith.addi %mul3A_4, %add3A_119 : i32
    %dma_start3A_121 = tpu.memref_slice %arg4[%add3A_120] : memref<25165824xf32, #tpu.memory_space<hbm>> -> memref<12288xf32, #tpu.memory_space<hbm>>
    %dma_start3A_122 = tpu.memref_slice %arg4[%add3A_120] : memref<25165824xf32, #tpu.memory_space<hbm>> -> memref<12288xf32, #tpu.memory_space<hbm>>
    tpu.enqueue_dma source(%arg8 : memref<12288xf32, #tpu.memory_space<vmem>>) target(%dma_start3A_122 : memref<12288xf32, #tpu.memory_space<hbm>>) target_semaphore(%arg24 : memref<!tpu.dma_semaphore, #tpu.memory_space<semaphore_mem>>)
    %scan3A_123 = arith.constant 0 : i32
    %scan3A_124 = arith.constant 1 : i32
    %scan3A_125 = arith.constant 14 : i32
    %scan3A_126 = arith.addi %scan3A_124, %scan3A_125 : i32
    %scan3A_127 = arith.constant 1 : i32
    scf.for %scan3A_203 = %scan3A_124 to %scan3A_126 step %scan3A_127  : i32 {
      %mul3A_204 = arith.constant 4 : i32
      %mul3A_205 = arith.muli %scan3A_203, %mul3A_204 : i32
      %add3A_206 = arith.constant 0 : i32
      %add3A_207 = arith.addi %mul3A_205, %add3A_206 : i32
      %dma_wait3A_208 = tpu.memref_slice %arg4[%mul3A_4] : memref<25165824xf32, #tpu.memory_space<hbm>> -> memref<12288xf32, #tpu.memory_space<hbm>>
      %dma_wait3A_209 = tpu.memref_slice %arg4[%mul3A_4] : memref<25165824xf32, #tpu.memory_space<hbm>> -> memref<12288xf32, #tpu.memory_space<hbm>>
      tpu.wait_dma2 semaphore(%arg24 : memref<!tpu.dma_semaphore, #tpu.memory_space<semaphore_mem>>) src(%arg8 : memref<12288xf32, #tpu.memory_space<vmem>>) dst(%dma_wait3A_209 : memref<12288xf32, #tpu.memory_space<hbm>>)
      %add3A_210 = arith.constant 4 : i32
      %add3A_211 = arith.addi %add3A_207, %add3A_210 : i32
      %sub3A = arith.constant 1 : i32
      %sub3A_212 = arith.subi %add3A_211, %sub3A : i32
      %mul3A_213 = arith.constant 12288 : i32
      %mul3A_214 = arith.muli %sub3A_212, %mul3A_213 : i32
      %add3A_215 = arith.addi %mul3A_4, %mul3A_214 : i32
      %dma_start3A_216 = tpu.memref_slice %arg2[%add3A_215] : memref<25165824xf32, #tpu.memory_space<hbm>> -> memref<12288xf32, #tpu.memory_space<hbm>>
      %dma_start3A_217 = tpu.memref_slice %arg2[%add3A_215] : memref<25165824xf32, #tpu.memory_space<hbm>> -> memref<12288xf32, #tpu.memory_space<hbm>>
      tpu.enqueue_dma source(%dma_start3A_217 : memref<12288xf32, #tpu.memory_space<hbm>>) target(%arg8 : memref<12288xf32, #tpu.memory_space<vmem>>) target_semaphore(%arg16 : memref<!tpu.dma_semaphore, #tpu.memory_space<semaphore_mem>>)
      %mul3A_218 = arith.constant 12288 : i32
      %mul3A_219 = arith.muli %sub3A_212, %mul3A_218 : i32
      %add3A_220 = arith.addi %mul3A_7, %mul3A_219 : i32
      %dma_start3A_221 = tpu.memref_slice %arg3[%add3A_220] : memref<6291456xf32, #tpu.memory_space<hbm>> -> memref<12288xf32, #tpu.memory_space<hbm>>
      %dma_start3A_222 = tpu.memref_slice %arg3[%add3A_220] : memref<6291456xf32, #tpu.memory_space<hbm>> -> memref<12288xf32, #tpu.memory_space<hbm>>
      tpu.enqueue_dma source(%dma_start3A_222 : memref<12288xf32, #tpu.memory_space<hbm>>) target(%arg12 : memref<12288xf32, #tpu.memory_space<vmem>>) target_semaphore(%arg20 : memref<!tpu.dma_semaphore, #tpu.memory_space<semaphore_mem>>)
      %dma_wait3A_223 = tpu.memref_slice %arg2[%mul3A_4] : memref<25165824xf32, #tpu.memory_space<hbm>> -> memref<12288xf32, #tpu.memory_space<hbm>>
      %dma_wait3A_224 = tpu.memref_slice %arg2[%mul3A_4] : memref<25165824xf32, #tpu.memory_space<hbm>> -> memref<12288xf32, #tpu.memory_space<hbm>>
      tpu.wait_dma2 semaphore(%arg13 : memref<!tpu.dma_semaphore, #tpu.memory_space<semaphore_mem>>) src(%dma_wait3A_224 : memref<12288xf32, #tpu.memory_space<hbm>>) dst(%arg5 : memref<12288xf32, #tpu.memory_space<vmem>>)
      %dma_wait3A_225 = tpu.memref_slice %arg3[%mul3A_7] : memref<6291456xf32, #tpu.memory_space<hbm>> -> memref<12288xf32, #tpu.memory_space<hbm>>
      %dma_wait3A_226 = tpu.memref_slice %arg3[%mul3A_7] : memref<6291456xf32, #tpu.memory_space<hbm>> -> memref<12288xf32, #tpu.memory_space<hbm>>
      tpu.wait_dma2 semaphore(%arg17 : memref<!tpu.dma_semaphore, #tpu.memory_space<semaphore_mem>>) src(%dma_wait3A_226 : memref<12288xf32, #tpu.memory_space<hbm>>) dst(%arg9 : memref<12288xf32, #tpu.memory_space<vmem>>)
      %scan3A_227 = arith.constant 0 : i32
      %scan3A_228 = arith.constant 0 : i32
      %scan3A_229 = arith.constant 192 : i32
      %scan3A_230 = arith.addi %scan3A_228, %scan3A_229 : i32
      %scan3A_231 = arith.constant 1 : i32
      scf.for %scan3A_343 = %scan3A_228 to %scan3A_230 step %scan3A_231  : i32 {
        %mul3A_344 = arith.constant 64 : i32
        %mul3A_345 = arith.muli %scan3A_343, %mul3A_344 : i32
        %add3A_346 = arith.constant 0 : i32
        %add3A_347 = arith.addi %mul3A_345, %add3A_346 : i32
        %get3A = arith.index_cast %add3A_347 : i32 to index
        %get3A_348 = tpu.vector_load %arg5[%get3A] {strides = array<i32>} : memref<12288xf32, #tpu.memory_space<vmem>>, vector<16xf32>,
        %get3A_349 = vector.shape_cast %get3A_348 : vector<16xf32> to vector<16xf32>
        %get3A_350 = arith.index_cast %add3A_347 : i32 to index
        %get3A_351 = tpu.vector_load %arg9[%get3A_350] {strides = array<i32>} : memref<12288xf32, #tpu.memory_space<vmem>>, vector<16xf32>,
        %get3A_352 = vector.shape_cast %get3A_351 : vector<16xf32> to vector<16xf32>
        %add3A_353 = arith.addf %get3A_349, %get3A_352 : vector<16xf32>
        %swap3A = arith.index_cast %add3A_347 : i32 to index
        %swap3A_354 = tpu.vector_load %arg5[%swap3A] {strides = array<i32>} : memref<12288xf32, #tpu.memory_space<vmem>>, vector<16xf32>,
        %swap3A_355 = vector.shape_cast %swap3A_354 : vector<16xf32> to vector<16xf32>
        %swap3A_356 = vector.shape_cast %add3A_353 : vector<16xf32> to vector<16xf32>
        tpu.vector_store %arg5[%swap3A], %swap3A_356 {strides = array<i32>} : memref<12288xf32, #tpu.memory_space<vmem>>, vector<16xf32>,
        %add3A_357 = arith.constant 16 : i32
        %add3A_358 = arith.addi %mul3A_345, %add3A_357 : i32
        %get3A_359 = arith.index_cast %add3A_358 : i32 to index
        %get3A_360 = tpu.vector_load %arg5[%get3A_359] {strides = array<i32>} : memref<12288xf32, #tpu.memory_space<vmem>>, vector<16xf32>,
        %get3A_361 = vector.shape_cast %get3A_360 : vector<16xf32> to vector<16xf32>
        %get3A_362 = arith.index_cast %add3A_358 : i32 to index
        %get3A_363 = tpu.vector_load %arg9[%get3A_362] {strides = array<i32>} : memref<12288xf32, #tpu.memory_space<vmem>>, vector<16xf32>,
        %get3A_364 = vector.shape_cast %get3A_363 : vector<16xf32> to vector<16xf32>
        %add3A_365 = arith.addf %get3A_361, %get3A_364 : vector<16xf32>
        %swap3A_366 = arith.index_cast %add3A_358 : i32 to index
        %swap3A_367 = tpu.vector_load %arg5[%swap3A_366] {strides = array<i32>} : memref<12288xf32, #tpu.memory_space<vmem>>, vector<16xf32>,
        %swap3A_368 = vector.shape_cast %swap3A_367 : vector<16xf32> to vector<16xf32>
        %swap3A_369 = vector.shape_cast %add3A_365 : vector<16xf32> to vector<16xf32>
        tpu.vector_store %arg5[%swap3A_366], %swap3A_369 {strides = array<i32>} : memref<12288xf32, #tpu.memory_space<vmem>>, vector<16xf32>,
        %add3A_370 = arith.constant 32 : i32
        %add3A_371 = arith.addi %mul3A_345, %add3A_370 : i32
        %get3A_372 = arith.index_cast %add3A_371 : i32 to index
        %get3A_373 = tpu.vector_load %arg5[%get3A_372] {strides = array<i32>} : memref<12288xf32, #tpu.memory_space<vmem>>, vector<16xf32>,
        %get3A_374 = vector.shape_cast %get3A_373 : vector<16xf32> to vector<16xf32>
        %get3A_375 = arith.index_cast %add3A_371 : i32 to index
        %get3A_376 = tpu.vector_load %arg9[%get3A_375] {strides = array<i32>} : memref<12288xf32, #tpu.memory_space<vmem>>, vector<16xf32>,
        %get3A_377 = vector.shape_cast %get3A_376 : vector<16xf32> to vector<16xf32>
        %add3A_378 = arith.addf %get3A_374, %get3A_377 : vector<16xf32>
        %swap3A_379 = arith.index_cast %add3A_371 : i32 to index
        %swap3A_380 = tpu.vector_load %arg5[%swap3A_379] {strides = array<i32>} : memref<12288xf32, #tpu.memory_space<vmem>>, vector<16xf32>,
        %swap3A_381 = vector.shape_cast %swap3A_380 : vector<16xf32> to vector<16xf32>
        %swap3A_382 = vector.shape_cast %add3A_378 : vector<16xf32> to vector<16xf32>
        tpu.vector_store %arg5[%swap3A_379], %swap3A_382 {strides = array<i32>} : memref<12288xf32, #tpu.memory_space<vmem>>, vector<16xf32>,
        %add3A_383 = arith.constant 48 : i32
        %add3A_384 = arith.addi %mul3A_345, %add3A_383 : i32
        %get3A_385 = arith.index_cast %add3A_384 : i32 to index
        %get3A_386 = tpu.vector_load %arg5[%get3A_385] {strides = array<i32>} : memref<12288xf32, #tpu.memory_space<vmem>>, vector<16xf32>,
        %get3A_387 = vector.shape_cast %get3A_386 : vector<16xf32> to vector<16xf32>
        %get3A_388 = arith.index_cast %add3A_384 : i32 to index
        %get3A_389 = tpu.vector_load %arg9[%get3A_388] {strides = array<i32>} : memref<12288xf32, #tpu.memory_space<vmem>>, vector<16xf32>,
        %get3A_390 = vector.shape_cast %get3A_389 : vector<16xf32> to vector<16xf32>
        %add3A_391 = arith.addf %get3A_387, %get3A_390 : vector<16xf32>
        %swap3A_392 = arith.index_cast %add3A_384 : i32 to index
        %swap3A_393 = tpu.vector_load %arg5[%swap3A_392] {strides = array<i32>} : memref<12288xf32, #tpu.memory_space<vmem>>, vector<16xf32>,
        %swap3A_394 = vector.shape_cast %swap3A_393 : vector<16xf32> to vector<16xf32>
        %swap3A_395 = vector.shape_cast %add3A_391 : vector<16xf32> to vector<16xf32>
        tpu.vector_store %arg5[%swap3A_392], %swap3A_395 {strides = array<i32>} : memref<12288xf32, #tpu.memory_space<vmem>>, vector<16xf32>,
      }
      %scan3A_232 = arith.constant 192 : i32
      %mul3A_233 = arith.constant 12288 : i32
      %mul3A_234 = arith.muli %add3A_207, %mul3A_233 : i32
      %add3A_235 = arith.addi %mul3A_4, %mul3A_234 : i32
      %dma_start3A_236 = tpu.memref_slice %arg4[%add3A_235] : memref<25165824xf32, #tpu.memory_space<hbm>> -> memref<12288xf32, #tpu.memory_space<hbm>>
      %dma_start3A_237 = tpu.memref_slice %arg4[%add3A_235] : memref<25165824xf32, #tpu.memory_space<hbm>> -> memref<12288xf32, #tpu.memory_space<hbm>>
      tpu.enqueue_dma source(%arg5 : memref<12288xf32, #tpu.memory_space<vmem>>) target(%dma_start3A_237 : memref<12288xf32, #tpu.memory_space<hbm>>) target_semaphore(%arg21 : memref<!tpu.dma_semaphore, #tpu.memory_space<semaphore_mem>>)
      %mul3A_238 = arith.constant 4 : i32
      %mul3A_239 = arith.muli %scan3A_203, %mul3A_238 : i32
      %add3A_240 = arith.constant 1 : i32
      %add3A_241 = arith.addi %mul3A_239, %add3A_240 : i32
      %dma_wait3A_242 = tpu.memref_slice %arg4[%mul3A_4] : memref<25165824xf32, #tpu.memory_space<hbm>> -> memref<12288xf32, #tpu.memory_space<hbm>>
      %dma_wait3A_243 = tpu.memref_slice %arg4[%mul3A_4] : memref<25165824xf32, #tpu.memory_space<hbm>> -> memref<12288xf32, #tpu.memory_space<hbm>>
      tpu.wait_dma2 semaphore(%arg21 : memref<!tpu.dma_semaphore, #tpu.memory_space<semaphore_mem>>) src(%arg5 : memref<12288xf32, #tpu.memory_space<vmem>>) dst(%dma_wait3A_243 : memref<12288xf32, #tpu.memory_space<hbm>>)
      %add3A_244 = arith.constant 4 : i32
      %add3A_245 = arith.addi %add3A_241, %add3A_244 : i32
      %sub3A_246 = arith.constant 1 : i32
      %sub3A_247 = arith.subi %add3A_245, %sub3A_246 : i32
      %mul3A_248 = arith.constant 12288 : i32
      %mul3A_249 = arith.muli %sub3A_247, %mul3A_248 : i32
      %add3A_250 = arith.addi %mul3A_4, %mul3A_249 : i32
      %dma_start3A_251 = tpu.memref_slice %arg2[%add3A_250] : memref<25165824xf32, #tpu.memory_space<hbm>> -> memref<12288xf32, #tpu.memory_space<hbm>>
      %dma_start3A_252 = tpu.memref_slice %arg2[%add3A_250] : memref<25165824xf32, #tpu.memory_space<hbm>> -> memref<12288xf32, #tpu.memory_space<hbm>>
      tpu.enqueue_dma source(%dma_start3A_252 : memref<12288xf32, #tpu.memory_space<hbm>>) target(%arg5 : memref<12288xf32, #tpu.memory_space<vmem>>) target_semaphore(%arg13 : memref<!tpu.dma_semaphore, #tpu.memory_space<semaphore_mem>>)
      %mul3A_253 = arith.constant 12288 : i32
      %mul3A_254 = arith.muli %sub3A_247, %mul3A_253 : i32
      %add3A_255 = arith.addi %mul3A_7, %mul3A_254 : i32
      %dma_start3A_256 = tpu.memref_slice %arg3[%add3A_255] : memref<6291456xf32, #tpu.memory_space<hbm>> -> memref<12288xf32, #tpu.memory_space<hbm>>
      %dma_start3A_257 = tpu.memref_slice %arg3[%add3A_255] : memref<6291456xf32, #tpu.memory_space<hbm>> -> memref<12288xf32, #tpu.memory_space<hbm>>
      tpu.enqueue_dma source(%dma_start3A_257 : memref<12288xf32, #tpu.memory_space<hbm>>) target(%arg9 : memref<12288xf32, #tpu.memory_space<vmem>>) target_semaphore(%arg17 : memref<!tpu.dma_semaphore, #tpu.memory_space<semaphore_mem>>)
      %dma_wait3A_258 = tpu.memref_slice %arg2[%mul3A_4] : memref<25165824xf32, #tpu.memory_space<hbm>> -> memref<12288xf32, #tpu.memory_space<hbm>>
      %dma_wait3A_259 = tpu.memref_slice %arg2[%mul3A_4] : memref<25165824xf32, #tpu.memory_space<hbm>> -> memref<12288xf32, #tpu.memory_space<hbm>>
      tpu.wait_dma2 semaphore(%arg14 : memref<!tpu.dma_semaphore, #tpu.memory_space<semaphore_mem>>) src(%dma_wait3A_259 : memref<12288xf32, #tpu.memory_space<hbm>>) dst(%arg6 : memref<12288xf32, #tpu.memory_space<vmem>>)
      %dma_wait3A_260 = tpu.memref_slice %arg3[%mul3A_7] : memref<6291456xf32, #tpu.memory_space<hbm>> -> memref<12288xf32, #tpu.memory_space<hbm>>
      %dma_wait3A_261 = tpu.memref_slice %arg3[%mul3A_7] : memref<6291456xf32, #tpu.memory_space<hbm>> -> memref<12288xf32, #tpu.memory_space<hbm>>
      tpu.wait_dma2 semaphore(%arg18 : memref<!tpu.dma_semaphore, #tpu.memory_space<semaphore_mem>>) src(%dma_wait3A_261 : memref<12288xf32, #tpu.memory_space<hbm>>) dst(%arg10 : memref<12288xf32, #tpu.memory_space<vmem>>)
      %scan3A_262 = arith.constant 0 : i32
      %scan3A_263 = arith.constant 0 : i32
      %scan3A_264 = arith.constant 192 : i32
      %scan3A_265 = arith.addi %scan3A_263, %scan3A_264 : i32
      %scan3A_266 = arith.constant 1 : i32
      scf.for %scan3A_343 = %scan3A_263 to %scan3A_265 step %scan3A_266  : i32 {
        %mul3A_344 = arith.constant 64 : i32
        %mul3A_345 = arith.muli %scan3A_343, %mul3A_344 : i32
        %add3A_346 = arith.constant 0 : i32
        %add3A_347 = arith.addi %mul3A_345, %add3A_346 : i32
        %get3A = arith.index_cast %add3A_347 : i32 to index
        %get3A_348 = tpu.vector_load %arg6[%get3A] {strides = array<i32>} : memref<12288xf32, #tpu.memory_space<vmem>>, vector<16xf32>,
        %get3A_349 = vector.shape_cast %get3A_348 : vector<16xf32> to vector<16xf32>
        %get3A_350 = arith.index_cast %add3A_347 : i32 to index
        %get3A_351 = tpu.vector_load %arg10[%get3A_350] {strides = array<i32>} : memref<12288xf32, #tpu.memory_space<vmem>>, vector<16xf32>,
        %get3A_352 = vector.shape_cast %get3A_351 : vector<16xf32> to vector<16xf32>
        %add3A_353 = arith.addf %get3A_349, %get3A_352 : vector<16xf32>
        %swap3A = arith.index_cast %add3A_347 : i32 to index
        %swap3A_354 = tpu.vector_load %arg6[%swap3A] {strides = array<i32>} : memref<12288xf32, #tpu.memory_space<vmem>>, vector<16xf32>,
        %swap3A_355 = vector.shape_cast %swap3A_354 : vector<16xf32> to vector<16xf32>
        %swap3A_356 = vector.shape_cast %add3A_353 : vector<16xf32> to vector<16xf32>
        tpu.vector_store %arg6[%swap3A], %swap3A_356 {strides = array<i32>} : memref<12288xf32, #tpu.memory_space<vmem>>, vector<16xf32>,
        %add3A_357 = arith.constant 16 : i32
        %add3A_358 = arith.addi %mul3A_345, %add3A_357 : i32
        %get3A_359 = arith.index_cast %add3A_358 : i32 to index
        %get3A_360 = tpu.vector_load %arg6[%get3A_359] {strides = array<i32>} : memref<12288xf32, #tpu.memory_space<vmem>>, vector<16xf32>,
        %get3A_361 = vector.shape_cast %get3A_360 : vector<16xf32> to vector<16xf32>
        %get3A_362 = arith.index_cast %add3A_358 : i32 to index
        %get3A_363 = tpu.vector_load %arg10[%get3A_362] {strides = array<i32>} : memref<12288xf32, #tpu.memory_space<vmem>>, vector<16xf32>,
        %get3A_364 = vector.shape_cast %get3A_363 : vector<16xf32> to vector<16xf32>
        %add3A_365 = arith.addf %get3A_361, %get3A_364 : vector<16xf32>
        %swap3A_366 = arith.index_cast %add3A_358 : i32 to index
        %swap3A_367 = tpu.vector_load %arg6[%swap3A_366] {strides = array<i32>} : memref<12288xf32, #tpu.memory_space<vmem>>, vector<16xf32>,
        %swap3A_368 = vector.shape_cast %swap3A_367 : vector<16xf32> to vector<16xf32>
        %swap3A_369 = vector.shape_cast %add3A_365 : vector<16xf32> to vector<16xf32>
        tpu.vector_store %arg6[%swap3A_366], %swap3A_369 {strides = array<i32>} : memref<12288xf32, #tpu.memory_space<vmem>>, vector<16xf32>,
        %add3A_370 = arith.constant 32 : i32
        %add3A_371 = arith.addi %mul3A_345, %add3A_370 : i32
        %get3A_372 = arith.index_cast %add3A_371 : i32 to index
        %get3A_373 = tpu.vector_load %arg6[%get3A_372] {strides = array<i32>} : memref<12288xf32, #tpu.memory_space<vmem>>, vector<16xf32>,
        %get3A_374 = vector.shape_cast %get3A_373 : vector<16xf32> to vector<16xf32>
        %get3A_375 = arith.index_cast %add3A_371 : i32 to index
        %get3A_376 = tpu.vector_load %arg10[%get3A_375] {strides = array<i32>} : memref<12288xf32, #tpu.memory_space<vmem>>, vector<16xf32>,
        %get3A_377 = vector.shape_cast %get3A_376 : vector<16xf32> to vector<16xf32>
        %add3A_378 = arith.addf %get3A_374, %get3A_377 : vector<16xf32>
        %swap3A_379 = arith.index_cast %add3A_371 : i32 to index
        %swap3A_380 = tpu.vector_load %arg6[%swap3A_379] {strides = array<i32>} : memref<12288xf32, #tpu.memory_space<vmem>>, vector<16xf32>,
        %swap3A_381 = vector.shape_cast %swap3A_380 : vector<16xf32> to vector<16xf32>
        %swap3A_382 = vector.shape_cast %add3A_378 : vector<16xf32> to vector<16xf32>
        tpu.vector_store %arg6[%swap3A_379], %swap3A_382 {strides = array<i32>} : memref<12288xf32, #tpu.memory_space<vmem>>, vector<16xf32>,
        %add3A_383 = arith.constant 48 : i32
        %add3A_384 = arith.addi %mul3A_345, %add3A_383 : i32
        %get3A_385 = arith.index_cast %add3A_384 : i32 to index
        %get3A_386 = tpu.vector_load %arg6[%get3A_385] {strides = array<i32>} : memref<12288xf32, #tpu.memory_space<vmem>>, vector<16xf32>,
        %get3A_387 = vector.shape_cast %get3A_386 : vector<16xf32> to vector<16xf32>
        %get3A_388 = arith.index_cast %add3A_384 : i32 to index
        %get3A_389 = tpu.vector_load %arg10[%get3A_388] {strides = array<i32>} : memref<12288xf32, #tpu.memory_space<vmem>>, vector<16xf32>,
        %get3A_390 = vector.shape_cast %get3A_389 : vector<16xf32> to vector<16xf32>
        %add3A_391 = arith.addf %get3A_387, %get3A_390 : vector<16xf32>
        %swap3A_392 = arith.index_cast %add3A_384 : i32 to index
        %swap3A_393 = tpu.vector_load %arg6[%swap3A_392] {strides = array<i32>} : memref<12288xf32, #tpu.memory_space<vmem>>, vector<16xf32>,
        %swap3A_394 = vector.shape_cast %swap3A_393 : vector<16xf32> to vector<16xf32>
        %swap3A_395 = vector.shape_cast %add3A_391 : vector<16xf32> to vector<16xf32>
        tpu.vector_store %arg6[%swap3A_392], %swap3A_395 {strides = array<i32>} : memref<12288xf32, #tpu.memory_space<vmem>>, vector<16xf32>,
      }
      %scan3A_267 = arith.constant 192 : i32
      %mul3A_268 = arith.constant 12288 : i32
      %mul3A_269 = arith.muli %add3A_241, %mul3A_268 : i32
      %add3A_270 = arith.addi %mul3A_4, %mul3A_269 : i32
      %dma_start3A_271 = tpu.memref_slice %arg4[%add3A_270] : memref<25165824xf32, #tpu.memory_space<hbm>> -> memref<12288xf32, #tpu.memory_space<hbm>>
      %dma_start3A_272 = tpu.memref_slice %arg4[%add3A_270] : memref<25165824xf32, #tpu.memory_space<hbm>> -> memref<12288xf32, #tpu.memory_space<hbm>>
      tpu.enqueue_dma source(%arg6 : memref<12288xf32, #tpu.memory_space<vmem>>) target(%dma_start3A_272 : memref<12288xf32, #tpu.memory_space<hbm>>) target_semaphore(%arg22 : memref<!tpu.dma_semaphore, #tpu.memory_space<semaphore_mem>>)
      %mul3A_273 = arith.constant 4 : i32
      %mul3A_274 = arith.muli %scan3A_203, %mul3A_273 : i32
      %add3A_275 = arith.constant 2 : i32
      %add3A_276 = arith.addi %mul3A_274, %add3A_275 : i32
      %dma_wait3A_277 = tpu.memref_slice %arg4[%mul3A_4] : memref<25165824xf32, #tpu.memory_space<hbm>> -> memref<12288xf32, #tpu.memory_space<hbm>>
      %dma_wait3A_278 = tpu.memref_slice %arg4[%mul3A_4] : memref<25165824xf32, #tpu.memory_space<hbm>> -> memref<12288xf32, #tpu.memory_space<hbm>>
      tpu.wait_dma2 semaphore(%arg22 : memref<!tpu.dma_semaphore, #tpu.memory_space<semaphore_mem>>) src(%arg6 : memref<12288xf32, #tpu.memory_space<vmem>>) dst(%dma_wait3A_278 : memref<12288xf32, #tpu.memory_space<hbm>>)
      %add3A_279 = arith.constant 4 : i32
      %add3A_280 = arith.addi %add3A_276, %add3A_279 : i32
      %sub3A_281 = arith.constant 1 : i32
      %sub3A_282 = arith.subi %add3A_280, %sub3A_281 : i32
      %mul3A_283 = arith.constant 12288 : i32
      %mul3A_284 = arith.muli %sub3A_282, %mul3A_283 : i32
      %add3A_285 = arith.addi %mul3A_4, %mul3A_284 : i32
      %dma_start3A_286 = tpu.memref_slice %arg2[%add3A_285] : memref<25165824xf32, #tpu.memory_space<hbm>> -> memref<12288xf32, #tpu.memory_space<hbm>>
      %dma_start3A_287 = tpu.memref_slice %arg2[%add3A_285] : memref<25165824xf32, #tpu.memory_space<hbm>> -> memref<12288xf32, #tpu.memory_space<hbm>>
      tpu.enqueue_dma source(%dma_start3A_287 : memref<12288xf32, #tpu.memory_space<hbm>>) target(%arg6 : memref<12288xf32, #tpu.memory_space<vmem>>) target_semaphore(%arg14 : memref<!tpu.dma_semaphore, #tpu.memory_space<semaphore_mem>>)
      %mul3A_288 = arith.constant 12288 : i32
      %mul3A_289 = arith.muli %sub3A_282, %mul3A_288 : i32
      %add3A_290 = arith.addi %mul3A_7, %mul3A_289 : i32
      %dma_start3A_291 = tpu.memref_slice %arg3[%add3A_290] : memref<6291456xf32, #tpu.memory_space<hbm>> -> memref<12288xf32, #tpu.memory_space<hbm>>
      %dma_start3A_292 = tpu.memref_slice %arg3[%add3A_290] : memref<6291456xf32, #tpu.memory_space<hbm>> -> memref<12288xf32, #tpu.memory_space<hbm>>
      tpu.enqueue_dma source(%dma_start3A_292 : memref<12288xf32, #tpu.memory_space<hbm>>) target(%arg10 : memref<12288xf32, #tpu.memory_space<vmem>>) target_semaphore(%arg18 : memref<!tpu.dma_semaphore, #tpu.memory_space<semaphore_mem>>)
      %dma_wait3A_293 = tpu.memref_slice %arg2[%mul3A_4] : memref<25165824xf32, #tpu.memory_space<hbm>> -> memref<12288xf32, #tpu.memory_space<hbm>>
      %dma_wait3A_294 = tpu.memref_slice %arg2[%mul3A_4] : memref<25165824xf32, #tpu.memory_space<hbm>> -> memref<12288xf32, #tpu.memory_space<hbm>>
      tpu.wait_dma2 semaphore(%arg15 : memref<!tpu.dma_semaphore, #tpu.memory_space<semaphore_mem>>) src(%dma_wait3A_294 : memref<12288xf32, #tpu.memory_space<hbm>>) dst(%arg7 : memref<12288xf32, #tpu.memory_space<vmem>>)
      %dma_wait3A_295 = tpu.memref_slice %arg3[%mul3A_7] : memref<6291456xf32, #tpu.memory_space<hbm>> -> memref<12288xf32, #tpu.memory_space<hbm>>
      %dma_wait3A_296 = tpu.memref_slice %arg3[%mul3A_7] : memref<6291456xf32, #tpu.memory_space<hbm>> -> memref<12288xf32, #tpu.memory_space<hbm>>
      tpu.wait_dma2 semaphore(%arg19 : memref<!tpu.dma_semaphore, #tpu.memory_space<semaphore_mem>>) src(%dma_wait3A_296 : memref<12288xf32, #tpu.memory_space<hbm>>) dst(%arg11 : memref<12288xf32, #tpu.memory_space<vmem>>)
      %scan3A_297 = arith.constant 0 : i32
      %scan3A_298 = arith.constant 0 : i32
      %scan3A_299 = arith.constant 192 : i32
      %scan3A_300 = arith.addi %scan3A_298, %scan3A_299 : i32
      %scan3A_301 = arith.constant 1 : i32
      scf.for %scan3A_343 = %scan3A_298 to %scan3A_300 step %scan3A_301  : i32 {
        %mul3A_344 = arith.constant 64 : i32
        %mul3A_345 = arith.muli %scan3A_343, %mul3A_344 : i32
        %add3A_346 = arith.constant 0 : i32
        %add3A_347 = arith.addi %mul3A_345, %add3A_346 : i32
        %get3A = arith.index_cast %add3A_347 : i32 to index
        %get3A_348 = tpu.vector_load %arg7[%get3A] {strides = array<i32>} : memref<12288xf32, #tpu.memory_space<vmem>>, vector<16xf32>,
        %get3A_349 = vector.shape_cast %get3A_348 : vector<16xf32> to vector<16xf32>
        %get3A_350 = arith.index_cast %add3A_347 : i32 to index
        %get3A_351 = tpu.vector_load %arg11[%get3A_350] {strides = array<i32>} : memref<12288xf32, #tpu.memory_space<vmem>>, vector<16xf32>,
        %get3A_352 = vector.shape_cast %get3A_351 : vector<16xf32> to vector<16xf32>
        %add3A_353 = arith.addf %get3A_349, %get3A_352 : vector<16xf32>
        %swap3A = arith.index_cast %add3A_347 : i32 to index
        %swap3A_354 = tpu.vector_load %arg7[%swap3A] {strides = array<i32>} : memref<12288xf32, #tpu.memory_space<vmem>>, vector<16xf32>,
        %swap3A_355 = vector.shape_cast %swap3A_354 : vector<16xf32> to vector<16xf32>
        %swap3A_356 = vector.shape_cast %add3A_353 : vector<16xf32> to vector<16xf32>
        tpu.vector_store %arg7[%swap3A], %swap3A_356 {strides = array<i32>} : memref<12288xf32, #tpu.memory_space<vmem>>, vector<16xf32>,
        %add3A_357 = arith.constant 16 : i32
        %add3A_358 = arith.addi %mul3A_345, %add3A_357 : i32
        %get3A_359 = arith.index_cast %add3A_358 : i32 to index
        %get3A_360 = tpu.vector_load %arg7[%get3A_359] {strides = array<i32>} : memref<12288xf32, #tpu.memory_space<vmem>>, vector<16xf32>,
        %get3A_361 = vector.shape_cast %get3A_360 : vector<16xf32> to vector<16xf32>
        %get3A_362 = arith.index_cast %add3A_358 : i32 to index
        %get3A_363 = tpu.vector_load %arg11[%get3A_362] {strides = array<i32>} : memref<12288xf32, #tpu.memory_space<vmem>>, vector<16xf32>,
        %get3A_364 = vector.shape_cast %get3A_363 : vector<16xf32> to vector<16xf32>
        %add3A_365 = arith.addf %get3A_361, %get3A_364 : vector<16xf32>
        %swap3A_366 = arith.index_cast %add3A_358 : i32 to index
        %swap3A_367 = tpu.vector_load %arg7[%swap3A_366] {strides = array<i32>} : memref<12288xf32, #tpu.memory_space<vmem>>, vector<16xf32>,
        %swap3A_368 = vector.shape_cast %swap3A_367 : vector<16xf32> to vector<16xf32>
        %swap3A_369 = vector.shape_cast %add3A_365 : vector<16xf32> to vector<16xf32>
        tpu.vector_store %arg7[%swap3A_366], %swap3A_369 {strides = array<i32>} : memref<12288xf32, #tpu.memory_space<vmem>>, vector<16xf32>,
        %add3A_370 = arith.constant 32 : i32
        %add3A_371 = arith.addi %mul3A_345, %add3A_370 : i32
        %get3A_372 = arith.index_cast %add3A_371 : i32 to index
        %get3A_373 = tpu.vector_load %arg7[%get3A_372] {strides = array<i32>} : memref<12288xf32, #tpu.memory_space<vmem>>, vector<16xf32>,
        %get3A_374 = vector.shape_cast %get3A_373 : vector<16xf32> to vector<16xf32>
        %get3A_375 = arith.index_cast %add3A_371 : i32 to index
        %get3A_376 = tpu.vector_load %arg11[%get3A_375] {strides = array<i32>} : memref<12288xf32, #tpu.memory_space<vmem>>, vector<16xf32>,
        %get3A_377 = vector.shape_cast %get3A_376 : vector<16xf32> to vector<16xf32>
        %add3A_378 = arith.addf %get3A_374, %get3A_377 : vector<16xf32>
        %swap3A_379 = arith.index_cast %add3A_371 : i32 to index
        %swap3A_380 = tpu.vector_load %arg7[%swap3A_379] {strides = array<i32>} : memref<12288xf32, #tpu.memory_space<vmem>>, vector<16xf32>,
        %swap3A_381 = vector.shape_cast %swap3A_380 : vector<16xf32> to vector<16xf32>
        %swap3A_382 = vector.shape_cast %add3A_378 : vector<16xf32> to vector<16xf32>
        tpu.vector_store %arg7[%swap3A_379], %swap3A_382 {strides = array<i32>} : memref<12288xf32, #tpu.memory_space<vmem>>, vector<16xf32>,
        %add3A_383 = arith.constant 48 : i32
        %add3A_384 = arith.addi %mul3A_345, %add3A_383 : i32
        %get3A_385 = arith.index_cast %add3A_384 : i32 to index
        %get3A_386 = tpu.vector_load %arg7[%get3A_385] {strides = array<i32>} : memref<12288xf32, #tpu.memory_space<vmem>>, vector<16xf32>,
        %get3A_387 = vector.shape_cast %get3A_386 : vector<16xf32> to vector<16xf32>
        %get3A_388 = arith.index_cast %add3A_384 : i32 to index
        %get3A_389 = tpu.vector_load %arg11[%get3A_388] {strides = array<i32>} : memref<12288xf32, #tpu.memory_space<vmem>>, vector<16xf32>,
        %get3A_390 = vector.shape_cast %get3A_389 : vector<16xf32> to vector<16xf32>
        %add3A_391 = arith.addf %get3A_387, %get3A_390 : vector<16xf32>
        %swap3A_392 = arith.index_cast %add3A_384 : i32 to index
        %swap3A_393 = tpu.vector_load %arg7[%swap3A_392] {strides = array<i32>} : memref<12288xf32, #tpu.memory_space<vmem>>, vector<16xf32>,
        %swap3A_394 = vector.shape_cast %swap3A_393 : vector<16xf32> to vector<16xf32>
        %swap3A_395 = vector.shape_cast %add3A_391 : vector<16xf32> to vector<16xf32>
        tpu.vector_store %arg7[%swap3A_392], %swap3A_395 {strides = array<i32>} : memref<12288xf32, #tpu.memory_space<vmem>>, vector<16xf32>,
      }
      %scan3A_302 = arith.constant 192 : i32
      %mul3A_303 = arith.constant 12288 : i32
      %mul3A_304 = arith.muli %add3A_276, %mul3A_303 : i32
      %add3A_305 = arith.addi %mul3A_4, %mul3A_304 : i32
      %dma_start3A_306 = tpu.memref_slice %arg4[%add3A_305] : memref<25165824xf32, #tpu.memory_space<hbm>> -> memref<12288xf32, #tpu.memory_space<hbm>>
      %dma_start3A_307 = tpu.memref_slice %arg4[%add3A_305] : memref<25165824xf32, #tpu.memory_space<hbm>> -> memref<12288xf32, #tpu.memory_space<hbm>>
      tpu.enqueue_dma source(%arg7 : memref<12288xf32, #tpu.memory_space<vmem>>) target(%dma_start3A_307 : memref<12288xf32, #tpu.memory_space<hbm>>) target_semaphore(%arg23 : memref<!tpu.dma_semaphore, #tpu.memory_space<semaphore_mem>>)
      %mul3A_308 = arith.constant 4 : i32
      %mul3A_309 = arith.muli %scan3A_203, %mul3A_308 : i32
      %add3A_310 = arith.constant 3 : i32
      %add3A_311 = arith.addi %mul3A_309, %add3A_310 : i32
      %dma_wait3A_312 = tpu.memref_slice %arg4[%mul3A_4] : memref<25165824xf32, #tpu.memory_space<hbm>> -> memref<12288xf32, #tpu.memory_space<hbm>>
      %dma_wait3A_313 = tpu.memref_slice %arg4[%mul3A_4] : memref<25165824xf32, #tpu.memory_space<hbm>> -> memref<12288xf32, #tpu.memory_space<hbm>>
      tpu.wait_dma2 semaphore(%arg23 : memref<!tpu.dma_semaphore, #tpu.memory_space<semaphore_mem>>) src(%arg7 : memref<12288xf32, #tpu.memory_space<vmem>>) dst(%dma_wait3A_313 : memref<12288xf32, #tpu.memory_space<hbm>>)
      %add3A_314 = arith.constant 4 : i32
      %add3A_315 = arith.addi %add3A_311, %add3A_314 : i32
      %sub3A_316 = arith.constant 1 : i32
      %sub3A_317 = arith.subi %add3A_315, %sub3A_316 : i32
      %mul3A_318 = arith.constant 12288 : i32
      %mul3A_319 = arith.muli %sub3A_317, %mul3A_318 : i32
      %add3A_320 = arith.addi %mul3A_4, %mul3A_319 : i32
      %dma_start3A_321 = tpu.memref_slice %arg2[%add3A_320] : memref<25165824xf32, #tpu.memory_space<hbm>> -> memref<12288xf32, #tpu.memory_space<hbm>>
      %dma_start3A_322 = tpu.memref_slice %arg2[%add3A_320] : memref<25165824xf32, #tpu.memory_space<hbm>> -> memref<12288xf32, #tpu.memory_space<hbm>>
      tpu.enqueue_dma source(%dma_start3A_322 : memref<12288xf32, #tpu.memory_space<hbm>>) target(%arg7 : memref<12288xf32, #tpu.memory_space<vmem>>) target_semaphore(%arg15 : memref<!tpu.dma_semaphore, #tpu.memory_space<semaphore_mem>>)
      %mul3A_323 = arith.constant 12288 : i32
      %mul3A_324 = arith.muli %sub3A_317, %mul3A_323 : i32
      %add3A_325 = arith.addi %mul3A_7, %mul3A_324 : i32
      %dma_start3A_326 = tpu.memref_slice %arg3[%add3A_325] : memref<6291456xf32, #tpu.memory_space<hbm>> -> memref<12288xf32, #tpu.memory_space<hbm>>
      %dma_start3A_327 = tpu.memref_slice %arg3[%add3A_325] : memref<6291456xf32, #tpu.memory_space<hbm>> -> memref<12288xf32, #tpu.memory_space<hbm>>
      tpu.enqueue_dma source(%dma_start3A_327 : memref<12288xf32, #tpu.memory_space<hbm>>) target(%arg11 : memref<12288xf32, #tpu.memory_space<vmem>>) target_semaphore(%arg19 : memref<!tpu.dma_semaphore, #tpu.memory_space<semaphore_mem>>)
      %dma_wait3A_328 = tpu.memref_slice %arg2[%mul3A_4] : memref<25165824xf32, #tpu.memory_space<hbm>> -> memref<12288xf32, #tpu.memory_space<hbm>>
      %dma_wait3A_329 = tpu.memref_slice %arg2[%mul3A_4] : memref<25165824xf32, #tpu.memory_space<hbm>> -> memref<12288xf32, #tpu.memory_space<hbm>>
      tpu.wait_dma2 semaphore(%arg16 : memref<!tpu.dma_semaphore, #tpu.memory_space<semaphore_mem>>) src(%dma_wait3A_329 : memref<12288xf32, #tpu.memory_space<hbm>>) dst(%arg8 : memref<12288xf32, #tpu.memory_space<vmem>>)
      %dma_wait3A_330 = tpu.memref_slice %arg3[%mul3A_7] : memref<6291456xf32, #tpu.memory_space<hbm>> -> memref<12288xf32, #tpu.memory_space<hbm>>
      %dma_wait3A_331 = tpu.memref_slice %arg3[%mul3A_7] : memref<6291456xf32, #tpu.memory_space<hbm>> -> memref<12288xf32, #tpu.memory_space<hbm>>
      tpu.wait_dma2 semaphore(%arg20 : memref<!tpu.dma_semaphore, #tpu.memory_space<semaphore_mem>>) src(%dma_wait3A_331 : memref<12288xf32, #tpu.memory_space<hbm>>) dst(%arg12 : memref<12288xf32, #tpu.memory_space<vmem>>)
      %scan3A_332 = arith.constant 0 : i32
      %scan3A_333 = arith.constant 0 : i32
      %scan3A_334 = arith.constant 192 : i32
      %scan3A_335 = arith.addi %scan3A_333, %scan3A_334 : i32
      %scan3A_336 = arith.constant 1 : i32
      scf.for %scan3A_343 = %scan3A_333 to %scan3A_335 step %scan3A_336  : i32 {
        %mul3A_344 = arith.constant 64 : i32
        %mul3A_345 = arith.muli %scan3A_343, %mul3A_344 : i32
        %add3A_346 = arith.constant 0 : i32
        %add3A_347 = arith.addi %mul3A_345, %add3A_346 : i32
        %get3A = arith.index_cast %add3A_347 : i32 to index
        %get3A_348 = tpu.vector_load %arg8[%get3A] {strides = array<i32>} : memref<12288xf32, #tpu.memory_space<vmem>>, vector<16xf32>,
        %get3A_349 = vector.shape_cast %get3A_348 : vector<16xf32> to vector<16xf32>
        %get3A_350 = arith.index_cast %add3A_347 : i32 to index
        %get3A_351 = tpu.vector_load %arg12[%get3A_350] {strides = array<i32>} : memref<12288xf32, #tpu.memory_space<vmem>>, vector<16xf32>,
        %get3A_352 = vector.shape_cast %get3A_351 : vector<16xf32> to vector<16xf32>
        %add3A_353 = arith.addf %get3A_349, %get3A_352 : vector<16xf32>
        %swap3A = arith.index_cast %add3A_347 : i32 to index
        %swap3A_354 = tpu.vector_load %arg8[%swap3A] {strides = array<i32>} : memref<12288xf32, #tpu.memory_space<vmem>>, vector<16xf32>,
        %swap3A_355 = vector.shape_cast %swap3A_354 : vector<16xf32> to vector<16xf32>
        %swap3A_356 = vector.shape_cast %add3A_353 : vector<16xf32> to vector<16xf32>
        tpu.vector_store %arg8[%swap3A], %swap3A_356 {strides = array<i32>} : memref<12288xf32, #tpu.memory_space<vmem>>, vector<16xf32>,
        %add3A_357 = arith.constant 16 : i32
        %add3A_358 = arith.addi %mul3A_345, %add3A_357 : i32
        %get3A_359 = arith.index_cast %add3A_358 : i32 to index
        %get3A_360 = tpu.vector_load %arg8[%get3A_359] {strides = array<i32>} : memref<12288xf32, #tpu.memory_space<vmem>>, vector<16xf32>,
        %get3A_361 = vector.shape_cast %get3A_360 : vector<16xf32> to vector<16xf32>
        %get3A_362 = arith.index_cast %add3A_358 : i32 to index
        %get3A_363 = tpu.vector_load %arg12[%get3A_362] {strides = array<i32>} : memref<12288xf32, #tpu.memory_space<vmem>>, vector<16xf32>,
        %get3A_364 = vector.shape_cast %get3A_363 : vector<16xf32> to vector<16xf32>
        %add3A_365 = arith.addf %get3A_361, %get3A_364 : vector<16xf32>
        %swap3A_366 = arith.index_cast %add3A_358 : i32 to index
        %swap3A_367 = tpu.vector_load %arg8[%swap3A_366] {strides = array<i32>} : memref<12288xf32, #tpu.memory_space<vmem>>, vector<16xf32>,
        %swap3A_368 = vector.shape_cast %swap3A_367 : vector<16xf32> to vector<16xf32>
        %swap3A_369 = vector.shape_cast %add3A_365 : vector<16xf32> to vector<16xf32>
        tpu.vector_store %arg8[%swap3A_366], %swap3A_369 {strides = array<i32>} : memref<12288xf32, #tpu.memory_space<vmem>>, vector<16xf32>,
        %add3A_370 = arith.constant 32 : i32
        %add3A_371 = arith.addi %mul3A_345, %add3A_370 : i32
        %get3A_372 = arith.index_cast %add3A_371 : i32 to index
        %get3A_373 = tpu.vector_load %arg8[%get3A_372] {strides = array<i32>} : memref<12288xf32, #tpu.memory_space<vmem>>, vector<16xf32>,
        %get3A_374 = vector.shape_cast %get3A_373 : vector<16xf32> to vector<16xf32>
        %get3A_375 = arith.index_cast %add3A_371 : i32 to index
        %get3A_376 = tpu.vector_load %arg12[%get3A_375] {strides = array<i32>} : memref<12288xf32, #tpu.memory_space<vmem>>, vector<16xf32>,
        %get3A_377 = vector.shape_cast %get3A_376 : vector<16xf32> to vector<16xf32>
        %add3A_378 = arith.addf %get3A_374, %get3A_377 : vector<16xf32>
        %swap3A_379 = arith.index_cast %add3A_371 : i32 to index
        %swap3A_380 = tpu.vector_load %arg8[%swap3A_379] {strides = array<i32>} : memref<12288xf32, #tpu.memory_space<vmem>>, vector<16xf32>,
        %swap3A_381 = vector.shape_cast %swap3A_380 : vector<16xf32> to vector<16xf32>
        %swap3A_382 = vector.shape_cast %add3A_378 : vector<16xf32> to vector<16xf32>
        tpu.vector_store %arg8[%swap3A_379], %swap3A_382 {strides = array<i32>} : memref<12288xf32, #tpu.memory_space<vmem>>, vector<16xf32>,
        %add3A_383 = arith.constant 48 : i32
        %add3A_384 = arith.addi %mul3A_345, %add3A_383 : i32
        %get3A_385 = arith.index_cast %add3A_384 : i32 to index
        %get3A_386 = tpu.vector_load %arg8[%get3A_385] {strides = array<i32>} : memref<12288xf32, #tpu.memory_space<vmem>>, vector<16xf32>,
        %get3A_387 = vector.shape_cast %get3A_386 : vector<16xf32> to vector<16xf32>
        %get3A_388 = arith.index_cast %add3A_384 : i32 to index
        %get3A_389 = tpu.vector_load %arg12[%get3A_388] {strides = array<i32>} : memref<12288xf32, #tpu.memory_space<vmem>>, vector<16xf32>,
        %get3A_390 = vector.shape_cast %get3A_389 : vector<16xf32> to vector<16xf32>
        %add3A_391 = arith.addf %get3A_387, %get3A_390 : vector<16xf32>
        %swap3A_392 = arith.index_cast %add3A_384 : i32 to index
        %swap3A_393 = tpu.vector_load %arg8[%swap3A_392] {strides = array<i32>} : memref<12288xf32, #tpu.memory_space<vmem>>, vector<16xf32>,
        %swap3A_394 = vector.shape_cast %swap3A_393 : vector<16xf32> to vector<16xf32>
        %swap3A_395 = vector.shape_cast %add3A_391 : vector<16xf32> to vector<16xf32>
        tpu.vector_store %arg8[%swap3A_392], %swap3A_395 {strides = array<i32>} : memref<12288xf32, #tpu.memory_space<vmem>>, vector<16xf32>,
      }
      %scan3A_337 = arith.constant 192 : i32
      %mul3A_338 = arith.constant 12288 : i32
      %mul3A_339 = arith.muli %add3A_311, %mul3A_338 : i32
      %add3A_340 = arith.addi %mul3A_4, %mul3A_339 : i32
      %dma_start3A_341 = tpu.memref_slice %arg4[%add3A_340] : memref<25165824xf32, #tpu.memory_space<hbm>> -> memref<12288xf32, #tpu.memory_space<hbm>>
      %dma_start3A_342 = tpu.memref_slice %arg4[%add3A_340] : memref<25165824xf32, #tpu.memory_space<hbm>> -> memref<12288xf32, #tpu.memory_space<hbm>>
      tpu.enqueue_dma source(%arg8 : memref<12288xf32, #tpu.memory_space<vmem>>) target(%dma_start3A_342 : memref<12288xf32, #tpu.memory_space<hbm>>) target_semaphore(%arg24 : memref<!tpu.dma_semaphore, #tpu.memory_space<semaphore_mem>>)
    }
    %scan3A_128 = arith.constant 14 : i32
    %dma_wait3A_129 = tpu.memref_slice %arg4[%mul3A_4] : memref<25165824xf32, #tpu.memory_space<hbm>> -> memref<12288xf32, #tpu.memory_space<hbm>>
    %dma_wait3A_130 = tpu.memref_slice %arg4[%mul3A_4] : memref<25165824xf32, #tpu.memory_space<hbm>> -> memref<12288xf32, #tpu.memory_space<hbm>>
    tpu.wait_dma2 semaphore(%arg24 : memref<!tpu.dma_semaphore, #tpu.memory_space<semaphore_mem>>) src(%arg8 : memref<12288xf32, #tpu.memory_space<vmem>>) dst(%dma_wait3A_130 : memref<12288xf32, #tpu.memory_space<hbm>>)
    %add3A_131 = arith.constant 774144 : i32
    %add3A_132 = arith.addi %mul3A_4, %add3A_131 : i32
    %dma_start3A_133 = tpu.memref_slice %arg2[%add3A_132] : memref<25165824xf32, #tpu.memory_space<hbm>> -> memref<12288xf32, #tpu.memory_space<hbm>>
    %dma_start3A_134 = tpu.memref_slice %arg2[%add3A_132] : memref<25165824xf32, #tpu.memory_space<hbm>> -> memref<12288xf32, #tpu.memory_space<hbm>>
    tpu.enqueue_dma source(%dma_start3A_134 : memref<12288xf32, #tpu.memory_space<hbm>>) target(%arg8 : memref<12288xf32, #tpu.memory_space<vmem>>) target_semaphore(%arg16 : memref<!tpu.dma_semaphore, #tpu.memory_space<semaphore_mem>>)
    %add3A_135 = arith.constant 774144 : i32
    %add3A_136 = arith.addi %mul3A_7, %add3A_135 : i32
    %dma_start3A_137 = tpu.memref_slice %arg3[%add3A_136] : memref<6291456xf32, #tpu.memory_space<hbm>> -> memref<12288xf32, #tpu.memory_space<hbm>>
    %dma_start3A_138 = tpu.memref_slice %arg3[%add3A_136] : memref<6291456xf32, #tpu.memory_space<hbm>> -> memref<12288xf32, #tpu.memory_space<hbm>>
    tpu.enqueue_dma source(%dma_start3A_138 : memref<12288xf32, #tpu.memory_space<hbm>>) target(%arg12 : memref<12288xf32, #tpu.memory_space<vmem>>) target_semaphore(%arg20 : memref<!tpu.dma_semaphore, #tpu.memory_space<semaphore_mem>>)
    %dma_wait3A_139 = tpu.memref_slice %arg2[%mul3A_4] : memref<25165824xf32, #tpu.memory_space<hbm>> -> memref<12288xf32, #tpu.memory_space<hbm>>
    %dma_wait3A_140 = tpu.memref_slice %arg2[%mul3A_4] : memref<25165824xf32, #tpu.memory_space<hbm>> -> memref<12288xf32, #tpu.memory_space<hbm>>
    tpu.wait_dma2 semaphore(%arg13 : memref<!tpu.dma_semaphore, #tpu.memory_space<semaphore_mem>>) src(%dma_wait3A_140 : memref<12288xf32, #tpu.memory_space<hbm>>) dst(%arg5 : memref<12288xf32, #tpu.memory_space<vmem>>)
    %dma_wait3A_141 = tpu.memref_slice %arg3[%mul3A_7] : memref<6291456xf32, #tpu.memory_space<hbm>> -> memref<12288xf32, #tpu.memory_space<hbm>>
    %dma_wait3A_142 = tpu.memref_slice %arg3[%mul3A_7] : memref<6291456xf32, #tpu.memory_space<hbm>> -> memref<12288xf32, #tpu.memory_space<hbm>>
    tpu.wait_dma2 semaphore(%arg17 : memref<!tpu.dma_semaphore, #tpu.memory_space<semaphore_mem>>) src(%dma_wait3A_142 : memref<12288xf32, #tpu.memory_space<hbm>>) dst(%arg9 : memref<12288xf32, #tpu.memory_space<vmem>>)
    %scan3A_143 = arith.constant 0 : i32
    %scan3A_144 = arith.constant 0 : i32
    %scan3A_145 = arith.constant 192 : i32
    %scan3A_146 = arith.addi %scan3A_144, %scan3A_145 : i32
    %scan3A_147 = arith.constant 1 : i32
    scf.for %scan3A_203 = %scan3A_144 to %scan3A_146 step %scan3A_147  : i32 {
      %mul3A_204 = arith.constant 64 : i32
      %mul3A_205 = arith.muli %scan3A_203, %mul3A_204 : i32
      %add3A_206 = arith.constant 0 : i32
      %add3A_207 = arith.addi %mul3A_205, %add3A_206 : i32
      %get3A = arith.index_cast %add3A_207 : i32 to index
      %get3A_208 = tpu.vector_load %arg5[%get3A] {strides = array<i32>} : memref<12288xf32, #tpu.memory_space<vmem>>, vector<16xf32>,
      %get3A_209 = vector.shape_cast %get3A_208 : vector<16xf32> to vector<16xf32>
      %get3A_210 = arith.index_cast %add3A_207 : i32 to index
      %get3A_211 = tpu.vector_load %arg9[%get3A_210] {strides = array<i32>} : memref<12288xf32, #tpu.memory_space<vmem>>, vector<16xf32>,
      %get3A_212 = vector.shape_cast %get3A_211 : vector<16xf32> to vector<16xf32>
      %add3A_213 = arith.addf %get3A_209, %get3A_212 : vector<16xf32>
      %swap3A = arith.index_cast %add3A_207 : i32 to index
      %swap3A_214 = tpu.vector_load %arg5[%swap3A] {strides = array<i32>} : memref<12288xf32, #tpu.memory_space<vmem>>, vector<16xf32>,
      %swap3A_215 = vector.shape_cast %swap3A_214 : vector<16xf32> to vector<16xf32>
      %swap3A_216 = vector.shape_cast %add3A_213 : vector<16xf32> to vector<16xf32>
      tpu.vector_store %arg5[%swap3A], %swap3A_216 {strides = array<i32>} : memref<12288xf32, #tpu.memory_space<vmem>>, vector<16xf32>,
      %add3A_217 = arith.constant 16 : i32
      %add3A_218 = arith.addi %mul3A_205, %add3A_217 : i32
      %get3A_219 = arith.index_cast %add3A_218 : i32 to index
      %get3A_220 = tpu.vector_load %arg5[%get3A_219] {strides = array<i32>} : memref<12288xf32, #tpu.memory_space<vmem>>, vector<16xf32>,
      %get3A_221 = vector.shape_cast %get3A_220 : vector<16xf32> to vector<16xf32>
      %get3A_222 = arith.index_cast %add3A_218 : i32 to index
      %get3A_223 = tpu.vector_load %arg9[%get3A_222] {strides = array<i32>} : memref<12288xf32, #tpu.memory_space<vmem>>, vector<16xf32>,
      %get3A_224 = vector.shape_cast %get3A_223 : vector<16xf32> to vector<16xf32>
      %add3A_225 = arith.addf %get3A_221, %get3A_224 : vector<16xf32>
      %swap3A_226 = arith.index_cast %add3A_218 : i32 to index
      %swap3A_227 = tpu.vector_load %arg5[%swap3A_226] {strides = array<i32>} : memref<12288xf32, #tpu.memory_space<vmem>>, vector<16xf32>,
      %swap3A_228 = vector.shape_cast %swap3A_227 : vector<16xf32> to vector<16xf32>
      %swap3A_229 = vector.shape_cast %add3A_225 : vector<16xf32> to vector<16xf32>
      tpu.vector_store %arg5[%swap3A_226], %swap3A_229 {strides = array<i32>} : memref<12288xf32, #tpu.memory_space<vmem>>, vector<16xf32>,
      %add3A_230 = arith.constant 32 : i32
      %add3A_231 = arith.addi %mul3A_205, %add3A_230 : i32
      %get3A_232 = arith.index_cast %add3A_231 : i32 to index
      %get3A_233 = tpu.vector_load %arg5[%get3A_232] {strides = array<i32>} : memref<12288xf32, #tpu.memory_space<vmem>>, vector<16xf32>,
      %get3A_234 = vector.shape_cast %get3A_233 : vector<16xf32> to vector<16xf32>
      %get3A_235 = arith.index_cast %add3A_231 : i32 to index
      %get3A_236 = tpu.vector_load %arg9[%get3A_235] {strides = array<i32>} : memref<12288xf32, #tpu.memory_space<vmem>>, vector<16xf32>,
      %get3A_237 = vector.shape_cast %get3A_236 : vector<16xf32> to vector<16xf32>
      %add3A_238 = arith.addf %get3A_234, %get3A_237 : vector<16xf32>
      %swap3A_239 = arith.index_cast %add3A_231 : i32 to index
      %swap3A_240 = tpu.vector_load %arg5[%swap3A_239] {strides = array<i32>} : memref<12288xf32, #tpu.memory_space<vmem>>, vector<16xf32>,
      %swap3A_241 = vector.shape_cast %swap3A_240 : vector<16xf32> to vector<16xf32>
      %swap3A_242 = vector.shape_cast %add3A_238 : vector<16xf32> to vector<16xf32>
      tpu.vector_store %arg5[%swap3A_239], %swap3A_242 {strides = array<i32>} : memref<12288xf32, #tpu.memory_space<vmem>>, vector<16xf32>,
      %add3A_243 = arith.constant 48 : i32
      %add3A_244 = arith.addi %mul3A_205, %add3A_243 : i32
      %get3A_245 = arith.index_cast %add3A_244 : i32 to index
      %get3A_246 = tpu.vector_load %arg5[%get3A_245] {strides = array<i32>} : memref<12288xf32, #tpu.memory_space<vmem>>, vector<16xf32>,
      %get3A_247 = vector.shape_cast %get3A_246 : vector<16xf32> to vector<16xf32>
      %get3A_248 = arith.index_cast %add3A_244 : i32 to index
      %get3A_249 = tpu.vector_load %arg9[%get3A_248] {strides = array<i32>} : memref<12288xf32, #tpu.memory_space<vmem>>, vector<16xf32>,
      %get3A_250 = vector.shape_cast %get3A_249 : vector<16xf32> to vector<16xf32>
      %add3A_251 = arith.addf %get3A_247, %get3A_250 : vector<16xf32>
      %swap3A_252 = arith.index_cast %add3A_244 : i32 to index
      %swap3A_253 = tpu.vector_load %arg5[%swap3A_252] {strides = array<i32>} : memref<12288xf32, #tpu.memory_space<vmem>>, vector<16xf32>,
      %swap3A_254 = vector.shape_cast %swap3A_253 : vector<16xf32> to vector<16xf32>
      %swap3A_255 = vector.shape_cast %add3A_251 : vector<16xf32> to vector<16xf32>
      tpu.vector_store %arg5[%swap3A_252], %swap3A_255 {strides = array<i32>} : memref<12288xf32, #tpu.memory_space<vmem>>, vector<16xf32>,
    }
    %scan3A_148 = arith.constant 192 : i32
    %add3A_149 = arith.constant 737280 : i32
    %add3A_150 = arith.addi %mul3A_4, %add3A_149 : i32
    %dma_start3A_151 = tpu.memref_slice %arg4[%add3A_150] : memref<25165824xf32, #tpu.memory_space<hbm>> -> memref<12288xf32, #tpu.memory_space<hbm>>
    %dma_start3A_152 = tpu.memref_slice %arg4[%add3A_150] : memref<25165824xf32, #tpu.memory_space<hbm>> -> memref<12288xf32, #tpu.memory_space<hbm>>
    tpu.enqueue_dma source(%arg5 : memref<12288xf32, #tpu.memory_space<vmem>>) target(%dma_start3A_152 : memref<12288xf32, #tpu.memory_space<hbm>>) target_semaphore(%arg21 : memref<!tpu.dma_semaphore, #tpu.memory_space<semaphore_mem>>)
    %dma_wait3A_153 = tpu.memref_slice %arg2[%mul3A_4] : memref<25165824xf32, #tpu.memory_space<hbm>> -> memref<12288xf32, #tpu.memory_space<hbm>>
    %dma_wait3A_154 = tpu.memref_slice %arg2[%mul3A_4] : memref<25165824xf32, #tpu.memory_space<hbm>> -> memref<12288xf32, #tpu.memory_space<hbm>>
    tpu.wait_dma2 semaphore(%arg14 : memref<!tpu.dma_semaphore, #tpu.memory_space<semaphore_mem>>) src(%dma_wait3A_154 : memref<12288xf32, #tpu.memory_space<hbm>>) dst(%arg6 : memref<12288xf32, #tpu.memory_space<vmem>>)
    %dma_wait3A_155 = tpu.memref_slice %arg3[%mul3A_7] : memref<6291456xf32, #tpu.memory_space<hbm>> -> memref<12288xf32, #tpu.memory_space<hbm>>
    %dma_wait3A_156 = tpu.memref_slice %arg3[%mul3A_7] : memref<6291456xf32, #tpu.memory_space<hbm>> -> memref<12288xf32, #tpu.memory_space<hbm>>
    tpu.wait_dma2 semaphore(%arg18 : memref<!tpu.dma_semaphore, #tpu.memory_space<semaphore_mem>>) src(%dma_wait3A_156 : memref<12288xf32, #tpu.memory_space<hbm>>) dst(%arg10 : memref<12288xf32, #tpu.memory_space<vmem>>)
    %scan3A_157 = arith.constant 0 : i32
    %scan3A_158 = arith.constant 0 : i32
    %scan3A_159 = arith.constant 192 : i32
    %scan3A_160 = arith.addi %scan3A_158, %scan3A_159 : i32
    %scan3A_161 = arith.constant 1 : i32
    scf.for %scan3A_203 = %scan3A_158 to %scan3A_160 step %scan3A_161  : i32 {
      %mul3A_204 = arith.constant 64 : i32
      %mul3A_205 = arith.muli %scan3A_203, %mul3A_204 : i32
      %add3A_206 = arith.constant 0 : i32
      %add3A_207 = arith.addi %mul3A_205, %add3A_206 : i32
      %get3A = arith.index_cast %add3A_207 : i32 to index
      %get3A_208 = tpu.vector_load %arg6[%get3A] {strides = array<i32>} : memref<12288xf32, #tpu.memory_space<vmem>>, vector<16xf32>,
      %get3A_209 = vector.shape_cast %get3A_208 : vector<16xf32> to vector<16xf32>
      %get3A_210 = arith.index_cast %add3A_207 : i32 to index
      %get3A_211 = tpu.vector_load %arg10[%get3A_210] {strides = array<i32>} : memref<12288xf32, #tpu.memory_space<vmem>>, vector<16xf32>,
      %get3A_212 = vector.shape_cast %get3A_211 : vector<16xf32> to vector<16xf32>
      %add3A_213 = arith.addf %get3A_209, %get3A_212 : vector<16xf32>
      %swap3A = arith.index_cast %add3A_207 : i32 to index
      %swap3A_214 = tpu.vector_load %arg6[%swap3A] {strides = array<i32>} : memref<12288xf32, #tpu.memory_space<vmem>>, vector<16xf32>,
      %swap3A_215 = vector.shape_cast %swap3A_214 : vector<16xf32> to vector<16xf32>
      %swap3A_216 = vector.shape_cast %add3A_213 : vector<16xf32> to vector<16xf32>
      tpu.vector_store %arg6[%swap3A], %swap3A_216 {strides = array<i32>} : memref<12288xf32, #tpu.memory_space<vmem>>, vector<16xf32>,
      %add3A_217 = arith.constant 16 : i32
      %add3A_218 = arith.addi %mul3A_205, %add3A_217 : i32
      %get3A_219 = arith.index_cast %add3A_218 : i32 to index
      %get3A_220 = tpu.vector_load %arg6[%get3A_219] {strides = array<i32>} : memref<12288xf32, #tpu.memory_space<vmem>>, vector<16xf32>,
      %get3A_221 = vector.shape_cast %get3A_220 : vector<16xf32> to vector<16xf32>
      %get3A_222 = arith.index_cast %add3A_218 : i32 to index
      %get3A_223 = tpu.vector_load %arg10[%get3A_222] {strides = array<i32>} : memref<12288xf32, #tpu.memory_space<vmem>>, vector<16xf32>,
      %get3A_224 = vector.shape_cast %get3A_223 : vector<16xf32> to vector<16xf32>
      %add3A_225 = arith.addf %get3A_221, %get3A_224 : vector<16xf32>
      %swap3A_226 = arith.index_cast %add3A_218 : i32 to index
      %swap3A_227 = tpu.vector_load %arg6[%swap3A_226] {strides = array<i32>} : memref<12288xf32, #tpu.memory_space<vmem>>, vector<16xf32>,
      %swap3A_228 = vector.shape_cast %swap3A_227 : vector<16xf32> to vector<16xf32>
      %swap3A_229 = vector.shape_cast %add3A_225 : vector<16xf32> to vector<16xf32>
      tpu.vector_store %arg6[%swap3A_226], %swap3A_229 {strides = array<i32>} : memref<12288xf32, #tpu.memory_space<vmem>>, vector<16xf32>,
      %add3A_230 = arith.constant 32 : i32
      %add3A_231 = arith.addi %mul3A_205, %add3A_230 : i32
      %get3A_232 = arith.index_cast %add3A_231 : i32 to index
      %get3A_233 = tpu.vector_load %arg6[%get3A_232] {strides = array<i32>} : memref<12288xf32, #tpu.memory_space<vmem>>, vector<16xf32>,
      %get3A_234 = vector.shape_cast %get3A_233 : vector<16xf32> to vector<16xf32>
      %get3A_235 = arith.index_cast %add3A_231 : i32 to index
      %get3A_236 = tpu.vector_load %arg10[%get3A_235] {strides = array<i32>} : memref<12288xf32, #tpu.memory_space<vmem>>, vector<16xf32>,
      %get3A_237 = vector.shape_cast %get3A_236 : vector<16xf32> to vector<16xf32>
      %add3A_238 = arith.addf %get3A_234, %get3A_237 : vector<16xf32>
      %swap3A_239 = arith.index_cast %add3A_231 : i32 to index
      %swap3A_240 = tpu.vector_load %arg6[%swap3A_239] {strides = array<i32>} : memref<12288xf32, #tpu.memory_space<vmem>>, vector<16xf32>,
      %swap3A_241 = vector.shape_cast %swap3A_240 : vector<16xf32> to vector<16xf32>
      %swap3A_242 = vector.shape_cast %add3A_238 : vector<16xf32> to vector<16xf32>
      tpu.vector_store %arg6[%swap3A_239], %swap3A_242 {strides = array<i32>} : memref<12288xf32, #tpu.memory_space<vmem>>, vector<16xf32>,
      %add3A_243 = arith.constant 48 : i32
      %add3A_244 = arith.addi %mul3A_205, %add3A_243 : i32
      %get3A_245 = arith.index_cast %add3A_244 : i32 to index
      %get3A_246 = tpu.vector_load %arg6[%get3A_245] {strides = array<i32>} : memref<12288xf32, #tpu.memory_space<vmem>>, vector<16xf32>,
      %get3A_247 = vector.shape_cast %get3A_246 : vector<16xf32> to vector<16xf32>
      %get3A_248 = arith.index_cast %add3A_244 : i32 to index
      %get3A_249 = tpu.vector_load %arg10[%get3A_248] {strides = array<i32>} : memref<12288xf32, #tpu.memory_space<vmem>>, vector<16xf32>,
      %get3A_250 = vector.shape_cast %get3A_249 : vector<16xf32> to vector<16xf32>
      %add3A_251 = arith.addf %get3A_247, %get3A_250 : vector<16xf32>
      %swap3A_252 = arith.index_cast %add3A_244 : i32 to index
      %swap3A_253 = tpu.vector_load %arg6[%swap3A_252] {strides = array<i32>} : memref<12288xf32, #tpu.memory_space<vmem>>, vector<16xf32>,
      %swap3A_254 = vector.shape_cast %swap3A_253 : vector<16xf32> to vector<16xf32>
      %swap3A_255 = vector.shape_cast %add3A_251 : vector<16xf32> to vector<16xf32>
      tpu.vector_store %arg6[%swap3A_252], %swap3A_255 {strides = array<i32>} : memref<12288xf32, #tpu.memory_space<vmem>>, vector<16xf32>,
    }
    %scan3A_162 = arith.constant 192 : i32
    %add3A_163 = arith.constant 749568 : i32
    %add3A_164 = arith.addi %mul3A_4, %add3A_163 : i32
    %dma_start3A_165 = tpu.memref_slice %arg4[%add3A_164] : memref<25165824xf32, #tpu.memory_space<hbm>> -> memref<12288xf32, #tpu.memory_space<hbm>>
    %dma_start3A_166 = tpu.memref_slice %arg4[%add3A_164] : memref<25165824xf32, #tpu.memory_space<hbm>> -> memref<12288xf32, #tpu.memory_space<hbm>>
    tpu.enqueue_dma source(%arg6 : memref<12288xf32, #tpu.memory_space<vmem>>) target(%dma_start3A_166 : memref<12288xf32, #tpu.memory_space<hbm>>) target_semaphore(%arg22 : memref<!tpu.dma_semaphore, #tpu.memory_space<semaphore_mem>>)
    %dma_wait3A_167 = tpu.memref_slice %arg2[%mul3A_4] : memref<25165824xf32, #tpu.memory_space<hbm>> -> memref<12288xf32, #tpu.memory_space<hbm>>
    %dma_wait3A_168 = tpu.memref_slice %arg2[%mul3A_4] : memref<25165824xf32, #tpu.memory_space<hbm>> -> memref<12288xf32, #tpu.memory_space<hbm>>
    tpu.wait_dma2 semaphore(%arg15 : memref<!tpu.dma_semaphore, #tpu.memory_space<semaphore_mem>>) src(%dma_wait3A_168 : memref<12288xf32, #tpu.memory_space<hbm>>) dst(%arg7 : memref<12288xf32, #tpu.memory_space<vmem>>)
    %dma_wait3A_169 = tpu.memref_slice %arg3[%mul3A_7] : memref<6291456xf32, #tpu.memory_space<hbm>> -> memref<12288xf32, #tpu.memory_space<hbm>>
    %dma_wait3A_170 = tpu.memref_slice %arg3[%mul3A_7] : memref<6291456xf32, #tpu.memory_space<hbm>> -> memref<12288xf32, #tpu.memory_space<hbm>>
    tpu.wait_dma2 semaphore(%arg19 : memref<!tpu.dma_semaphore, #tpu.memory_space<semaphore_mem>>) src(%dma_wait3A_170 : memref<12288xf32, #tpu.memory_space<hbm>>) dst(%arg11 : memref<12288xf32, #tpu.memory_space<vmem>>)
    %scan3A_171 = arith.constant 0 : i32
    %scan3A_172 = arith.constant 0 : i32
    %scan3A_173 = arith.constant 192 : i32
    %scan3A_174 = arith.addi %scan3A_172, %scan3A_173 : i32
    %scan3A_175 = arith.constant 1 : i32
    scf.for %scan3A_203 = %scan3A_172 to %scan3A_174 step %scan3A_175  : i32 {
      %mul3A_204 = arith.constant 64 : i32
      %mul3A_205 = arith.muli %scan3A_203, %mul3A_204 : i32
      %add3A_206 = arith.constant 0 : i32
      %add3A_207 = arith.addi %mul3A_205, %add3A_206 : i32
      %get3A = arith.index_cast %add3A_207 : i32 to index
      %get3A_208 = tpu.vector_load %arg7[%get3A] {strides = array<i32>} : memref<12288xf32, #tpu.memory_space<vmem>>, vector<16xf32>,
      %get3A_209 = vector.shape_cast %get3A_208 : vector<16xf32> to vector<16xf32>
      %get3A_210 = arith.index_cast %add3A_207 : i32 to index
      %get3A_211 = tpu.vector_load %arg11[%get3A_210] {strides = array<i32>} : memref<12288xf32, #tpu.memory_space<vmem>>, vector<16xf32>,
      %get3A_212 = vector.shape_cast %get3A_211 : vector<16xf32> to vector<16xf32>
      %add3A_213 = arith.addf %get3A_209, %get3A_212 : vector<16xf32>
      %swap3A = arith.index_cast %add3A_207 : i32 to index
      %swap3A_214 = tpu.vector_load %arg7[%swap3A] {strides = array<i32>} : memref<12288xf32, #tpu.memory_space<vmem>>, vector<16xf32>,
      %swap3A_215 = vector.shape_cast %swap3A_214 : vector<16xf32> to vector<16xf32>
      %swap3A_216 = vector.shape_cast %add3A_213 : vector<16xf32> to vector<16xf32>
      tpu.vector_store %arg7[%swap3A], %swap3A_216 {strides = array<i32>} : memref<12288xf32, #tpu.memory_space<vmem>>, vector<16xf32>,
      %add3A_217 = arith.constant 16 : i32
      %add3A_218 = arith.addi %mul3A_205, %add3A_217 : i32
      %get3A_219 = arith.index_cast %add3A_218 : i32 to index
      %get3A_220 = tpu.vector_load %arg7[%get3A_219] {strides = array<i32>} : memref<12288xf32, #tpu.memory_space<vmem>>, vector<16xf32>,
      %get3A_221 = vector.shape_cast %get3A_220 : vector<16xf32> to vector<16xf32>
      %get3A_222 = arith.index_cast %add3A_218 : i32 to index
      %get3A_223 = tpu.vector_load %arg11[%get3A_222] {strides = array<i32>} : memref<12288xf32, #tpu.memory_space<vmem>>, vector<16xf32>,
      %get3A_224 = vector.shape_cast %get3A_223 : vector<16xf32> to vector<16xf32>
      %add3A_225 = arith.addf %get3A_221, %get3A_224 : vector<16xf32>
      %swap3A_226 = arith.index_cast %add3A_218 : i32 to index
      %swap3A_227 = tpu.vector_load %arg7[%swap3A_226] {strides = array<i32>} : memref<12288xf32, #tpu.memory_space<vmem>>, vector<16xf32>,
      %swap3A_228 = vector.shape_cast %swap3A_227 : vector<16xf32> to vector<16xf32>
      %swap3A_229 = vector.shape_cast %add3A_225 : vector<16xf32> to vector<16xf32>
      tpu.vector_store %arg7[%swap3A_226], %swap3A_229 {strides = array<i32>} : memref<12288xf32, #tpu.memory_space<vmem>>, vector<16xf32>,
      %add3A_230 = arith.constant 32 : i32
      %add3A_231 = arith.addi %mul3A_205, %add3A_230 : i32
      %get3A_232 = arith.index_cast %add3A_231 : i32 to index
      %get3A_233 = tpu.vector_load %arg7[%get3A_232] {strides = array<i32>} : memref<12288xf32, #tpu.memory_space<vmem>>, vector<16xf32>,
      %get3A_234 = vector.shape_cast %get3A_233 : vector<16xf32> to vector<16xf32>
      %get3A_235 = arith.index_cast %add3A_231 : i32 to index
      %get3A_236 = tpu.vector_load %arg11[%get3A_235] {strides = array<i32>} : memref<12288xf32, #tpu.memory_space<vmem>>, vector<16xf32>,
      %get3A_237 = vector.shape_cast %get3A_236 : vector<16xf32> to vector<16xf32>
      %add3A_238 = arith.addf %get3A_234, %get3A_237 : vector<16xf32>
      %swap3A_239 = arith.index_cast %add3A_231 : i32 to index
      %swap3A_240 = tpu.vector_load %arg7[%swap3A_239] {strides = array<i32>} : memref<12288xf32, #tpu.memory_space<vmem>>, vector<16xf32>,
      %swap3A_241 = vector.shape_cast %swap3A_240 : vector<16xf32> to vector<16xf32>
      %swap3A_242 = vector.shape_cast %add3A_238 : vector<16xf32> to vector<16xf32>
      tpu.vector_store %arg7[%swap3A_239], %swap3A_242 {strides = array<i32>} : memref<12288xf32, #tpu.memory_space<vmem>>, vector<16xf32>,
      %add3A_243 = arith.constant 48 : i32
      %add3A_244 = arith.addi %mul3A_205, %add3A_243 : i32
      %get3A_245 = arith.index_cast %add3A_244 : i32 to index
      %get3A_246 = tpu.vector_load %arg7[%get3A_245] {strides = array<i32>} : memref<12288xf32, #tpu.memory_space<vmem>>, vector<16xf32>,
      %get3A_247 = vector.shape_cast %get3A_246 : vector<16xf32> to vector<16xf32>
      %get3A_248 = arith.index_cast %add3A_244 : i32 to index
      %get3A_249 = tpu.vector_load %arg11[%get3A_248] {strides = array<i32>} : memref<12288xf32, #tpu.memory_space<vmem>>, vector<16xf32>,
      %get3A_250 = vector.shape_cast %get3A_249 : vector<16xf32> to vector<16xf32>
      %add3A_251 = arith.addf %get3A_247, %get3A_250 : vector<16xf32>
      %swap3A_252 = arith.index_cast %add3A_244 : i32 to index
      %swap3A_253 = tpu.vector_load %arg7[%swap3A_252] {strides = array<i32>} : memref<12288xf32, #tpu.memory_space<vmem>>, vector<16xf32>,
      %swap3A_254 = vector.shape_cast %swap3A_253 : vector<16xf32> to vector<16xf32>
      %swap3A_255 = vector.shape_cast %add3A_251 : vector<16xf32> to vector<16xf32>
      tpu.vector_store %arg7[%swap3A_252], %swap3A_255 {strides = array<i32>} : memref<12288xf32, #tpu.memory_space<vmem>>, vector<16xf32>,
    }
    %scan3A_176 = arith.constant 192 : i32
    %add3A_177 = arith.constant 761856 : i32
    %add3A_178 = arith.addi %mul3A_4, %add3A_177 : i32
    %dma_start3A_179 = tpu.memref_slice %arg4[%add3A_178] : memref<25165824xf32, #tpu.memory_space<hbm>> -> memref<12288xf32, #tpu.memory_space<hbm>>
    %dma_start3A_180 = tpu.memref_slice %arg4[%add3A_178] : memref<25165824xf32, #tpu.memory_space<hbm>> -> memref<12288xf32, #tpu.memory_space<hbm>>
    tpu.enqueue_dma source(%arg7 : memref<12288xf32, #tpu.memory_space<vmem>>) target(%dma_start3A_180 : memref<12288xf32, #tpu.memory_space<hbm>>) target_semaphore(%arg23 : memref<!tpu.dma_semaphore, #tpu.memory_space<semaphore_mem>>)
    %dma_wait3A_181 = tpu.memref_slice %arg2[%mul3A_4] : memref<25165824xf32, #tpu.memory_space<hbm>> -> memref<12288xf32, #tpu.memory_space<hbm>>
    %dma_wait3A_182 = tpu.memref_slice %arg2[%mul3A_4] : memref<25165824xf32, #tpu.memory_space<hbm>> -> memref<12288xf32, #tpu.memory_space<hbm>>
    tpu.wait_dma2 semaphore(%arg16 : memref<!tpu.dma_semaphore, #tpu.memory_space<semaphore_mem>>) src(%dma_wait3A_182 : memref<12288xf32, #tpu.memory_space<hbm>>) dst(%arg8 : memref<12288xf32, #tpu.memory_space<vmem>>)
    %dma_wait3A_183 = tpu.memref_slice %arg3[%mul3A_7] : memref<6291456xf32, #tpu.memory_space<hbm>> -> memref<12288xf32, #tpu.memory_space<hbm>>
    %dma_wait3A_184 = tpu.memref_slice %arg3[%mul3A_7] : memref<6291456xf32, #tpu.memory_space<hbm>> -> memref<12288xf32, #tpu.memory_space<hbm>>
    tpu.wait_dma2 semaphore(%arg20 : memref<!tpu.dma_semaphore, #tpu.memory_space<semaphore_mem>>) src(%dma_wait3A_184 : memref<12288xf32, #tpu.memory_space<hbm>>) dst(%arg12 : memref<12288xf32, #tpu.memory_space<vmem>>)
    %scan3A_185 = arith.constant 0 : i32
    %scan3A_186 = arith.constant 0 : i32
    %scan3A_187 = arith.constant 192 : i32
    %scan3A_188 = arith.addi %scan3A_186, %scan3A_187 : i32
    %scan3A_189 = arith.constant 1 : i32
    scf.for %scan3A_203 = %scan3A_186 to %scan3A_188 step %scan3A_189  : i32 {
      %mul3A_204 = arith.constant 64 : i32
      %mul3A_205 = arith.muli %scan3A_203, %mul3A_204 : i32
      %add3A_206 = arith.constant 0 : i32
      %add3A_207 = arith.addi %mul3A_205, %add3A_206 : i32
      %get3A = arith.index_cast %add3A_207 : i32 to index
      %get3A_208 = tpu.vector_load %arg8[%get3A] {strides = array<i32>} : memref<12288xf32, #tpu.memory_space<vmem>>, vector<16xf32>,
      %get3A_209 = vector.shape_cast %get3A_208 : vector<16xf32> to vector<16xf32>
      %get3A_210 = arith.index_cast %add3A_207 : i32 to index
      %get3A_211 = tpu.vector_load %arg12[%get3A_210] {strides = array<i32>} : memref<12288xf32, #tpu.memory_space<vmem>>, vector<16xf32>,
      %get3A_212 = vector.shape_cast %get3A_211 : vector<16xf32> to vector<16xf32>
      %add3A_213 = arith.addf %get3A_209, %get3A_212 : vector<16xf32>
      %swap3A = arith.index_cast %add3A_207 : i32 to index
      %swap3A_214 = tpu.vector_load %arg8[%swap3A] {strides = array<i32>} : memref<12288xf32, #tpu.memory_space<vmem>>, vector<16xf32>,
      %swap3A_215 = vector.shape_cast %swap3A_214 : vector<16xf32> to vector<16xf32>
      %swap3A_216 = vector.shape_cast %add3A_213 : vector<16xf32> to vector<16xf32>
      tpu.vector_store %arg8[%swap3A], %swap3A_216 {strides = array<i32>} : memref<12288xf32, #tpu.memory_space<vmem>>, vector<16xf32>,
      %add3A_217 = arith.constant 16 : i32
      %add3A_218 = arith.addi %mul3A_205, %add3A_217 : i32
      %get3A_219 = arith.index_cast %add3A_218 : i32 to index
      %get3A_220 = tpu.vector_load %arg8[%get3A_219] {strides = array<i32>} : memref<12288xf32, #tpu.memory_space<vmem>>, vector<16xf32>,
      %get3A_221 = vector.shape_cast %get3A_220 : vector<16xf32> to vector<16xf32>
      %get3A_222 = arith.index_cast %add3A_218 : i32 to index
      %get3A_223 = tpu.vector_load %arg12[%get3A_222] {strides = array<i32>} : memref<12288xf32, #tpu.memory_space<vmem>>, vector<16xf32>,
      %get3A_224 = vector.shape_cast %get3A_223 : vector<16xf32> to vector<16xf32>
      %add3A_225 = arith.addf %get3A_221, %get3A_224 : vector<16xf32>
      %swap3A_226 = arith.index_cast %add3A_218 : i32 to index
      %swap3A_227 = tpu.vector_load %arg8[%swap3A_226] {strides = array<i32>} : memref<12288xf32, #tpu.memory_space<vmem>>, vector<16xf32>,
      %swap3A_228 = vector.shape_cast %swap3A_227 : vector<16xf32> to vector<16xf32>
      %swap3A_229 = vector.shape_cast %add3A_225 : vector<16xf32> to vector<16xf32>
      tpu.vector_store %arg8[%swap3A_226], %swap3A_229 {strides = array<i32>} : memref<12288xf32, #tpu.memory_space<vmem>>, vector<16xf32>,
      %add3A_230 = arith.constant 32 : i32
      %add3A_231 = arith.addi %mul3A_205, %add3A_230 : i32
      %get3A_232 = arith.index_cast %add3A_231 : i32 to index
      %get3A_233 = tpu.vector_load %arg8[%get3A_232] {strides = array<i32>} : memref<12288xf32, #tpu.memory_space<vmem>>, vector<16xf32>,
      %get3A_234 = vector.shape_cast %get3A_233 : vector<16xf32> to vector<16xf32>
      %get3A_235 = arith.index_cast %add3A_231 : i32 to index
      %get3A_236 = tpu.vector_load %arg12[%get3A_235] {strides = array<i32>} : memref<12288xf32, #tpu.memory_space<vmem>>, vector<16xf32>,
      %get3A_237 = vector.shape_cast %get3A_236 : vector<16xf32> to vector<16xf32>
      %add3A_238 = arith.addf %get3A_234, %get3A_237 : vector<16xf32>
      %swap3A_239 = arith.index_cast %add3A_231 : i32 to index
      %swap3A_240 = tpu.vector_load %arg8[%swap3A_239] {strides = array<i32>} : memref<12288xf32, #tpu.memory_space<vmem>>, vector<16xf32>,
      %swap3A_241 = vector.shape_cast %swap3A_240 : vector<16xf32> to vector<16xf32>
      %swap3A_242 = vector.shape_cast %add3A_238 : vector<16xf32> to vector<16xf32>
      tpu.vector_store %arg8[%swap3A_239], %swap3A_242 {strides = array<i32>} : memref<12288xf32, #tpu.memory_space<vmem>>, vector<16xf32>,
      %add3A_243 = arith.constant 48 : i32
      %add3A_244 = arith.addi %mul3A_205, %add3A_243 : i32
      %get3A_245 = arith.index_cast %add3A_244 : i32 to index
      %get3A_246 = tpu.vector_load %arg8[%get3A_245] {strides = array<i32>} : memref<12288xf32, #tpu.memory_space<vmem>>, vector<16xf32>,
      %get3A_247 = vector.shape_cast %get3A_246 : vector<16xf32> to vector<16xf32>
      %get3A_248 = arith.index_cast %add3A_244 : i32 to index
      %get3A_249 = tpu.vector_load %arg12[%get3A_248] {strides = array<i32>} : memref<12288xf32, #tpu.memory_space<vmem>>, vector<16xf32>,
      %get3A_250 = vector.shape_cast %get3A_249 : vector<16xf32> to vector<16xf32>
      %add3A_251 = arith.addf %get3A_247, %get3A_250 : vector<16xf32>
      %swap3A_252 = arith.index_cast %add3A_244 : i32 to index
      %swap3A_253 = tpu.vector_load %arg8[%swap3A_252] {strides = array<i32>} : memref<12288xf32, #tpu.memory_space<vmem>>, vector<16xf32>,
      %swap3A_254 = vector.shape_cast %swap3A_253 : vector<16xf32> to vector<16xf32>
      %swap3A_255 = vector.shape_cast %add3A_251 : vector<16xf32> to vector<16xf32>
      tpu.vector_store %arg8[%swap3A_252], %swap3A_255 {strides = array<i32>} : memref<12288xf32, #tpu.memory_space<vmem>>, vector<16xf32>,
    }
    %scan3A_190 = arith.constant 192 : i32
    %add3A_191 = arith.constant 774144 : i32
    %add3A_192 = arith.addi %mul3A_4, %add3A_191 : i32
    %dma_start3A_193 = tpu.memref_slice %arg4[%add3A_192] : memref<25165824xf32, #tpu.memory_space<hbm>> -> memref<12288xf32, #tpu.memory_space<hbm>>
    %dma_start3A_194 = tpu.memref_slice %arg4[%add3A_192] : memref<25165824xf32, #tpu.memory_space<hbm>> -> memref<12288xf32, #tpu.memory_space<hbm>>
    tpu.enqueue_dma source(%arg8 : memref<12288xf32, #tpu.memory_space<vmem>>) target(%dma_start3A_194 : memref<12288xf32, #tpu.memory_space<hbm>>) target_semaphore(%arg24 : memref<!tpu.dma_semaphore, #tpu.memory_space<semaphore_mem>>)
    %dma_wait3A_195 = tpu.memref_slice %arg4[%mul3A_4] : memref<25165824xf32, #tpu.memory_space<hbm>> -> memref<12288xf32, #tpu.memory_space<hbm>>
    %dma_wait3A_196 = tpu.memref_slice %arg4[%mul3A_4] : memref<25165824xf32, #tpu.memory_space<hbm>> -> memref<12288xf32, #tpu.memory_space<hbm>>
    tpu.wait_dma2 semaphore(%arg21 : memref<!tpu.dma_semaphore, #tpu.memory_space<semaphore_mem>>) src(%arg5 : memref<12288xf32, #tpu.memory_space<vmem>>) dst(%dma_wait3A_196 : memref<12288xf32, #tpu.memory_space<hbm>>)
    %dma_wait3A_197 = tpu.memref_slice %arg4[%mul3A_4] : memref<25165824xf32, #tpu.memory_space<hbm>> -> memref<12288xf32, #tpu.memory_space<hbm>>
    %dma_wait3A_198 = tpu.memref_slice %arg4[%mul3A_4] : memref<25165824xf32, #tpu.memory_space<hbm>> -> memref<12288xf32, #tpu.memory_space<hbm>>
    tpu.wait_dma2 semaphore(%arg22 : memref<!tpu.dma_semaphore, #tpu.memory_space<semaphore_mem>>) src(%arg6 : memref<12288xf32, #tpu.memory_space<vmem>>) dst(%dma_wait3A_198 : memref<12288xf32, #tpu.memory_space<hbm>>)
    %dma_wait3A_199 = tpu.memref_slice %arg4[%mul3A_4] : memref<25165824xf32, #tpu.memory_space<hbm>> -> memref<12288xf32, #tpu.memory_space<hbm>>
    %dma_wait3A_200 = tpu.memref_slice %arg4[%mul3A_4] : memref<25165824xf32, #tpu.memory_space<hbm>> -> memref<12288xf32, #tpu.memory_space<hbm>>
    tpu.wait_dma2 semaphore(%arg23 : memref<!tpu.dma_semaphore, #tpu.memory_space<semaphore_mem>>) src(%arg7 : memref<12288xf32, #tpu.memory_space<vmem>>) dst(%dma_wait3A_200 : memref<12288xf32, #tpu.memory_space<hbm>>)
    %dma_wait3A_201 = tpu.memref_slice %arg4[%mul3A_4] : memref<25165824xf32, #tpu.memory_space<hbm>> -> memref<12288xf32, #tpu.memory_space<hbm>>
    %dma_wait3A_202 = tpu.memref_slice %arg4[%mul3A_4] : memref<25165824xf32, #tpu.memory_space<hbm>> -> memref<12288xf32, #tpu.memory_space<hbm>>
    tpu.wait_dma2 semaphore(%arg24 : memref<!tpu.dma_semaphore, #tpu.memory_space<semaphore_mem>>) src(%arg8 : memref<12288xf32, #tpu.memory_space<vmem>>) dst(%dma_wait3A_202 : memref<12288xf32, #tpu.memory_space<hbm>>)
    return
  }
}

</mosaic_0001>

<sc_bundles>
// kernel: kernel.3.cloned.1.call-start
scs
__scs_entry_jumppad:
0x0: {  	(pc) =	sbr.rel $0x88, $3  }
0x1: {  	(tag) =	ssettag $0x0;
	lr =	simm.s32 $0x1  }
0x2: {  	[smem:$0x3F9F] =	sst lr;
	_ =	strace $0xD0000000  }
0x3: {  	_ = 	snop  }
0x4: {  	_ = 	snop  }
0x5: {  	_ = 	snop  }
0x6: {  	_ = 	snop  }
0x7: {  	_ = 	snop  }
__scs_overlays_trampoline_lowered:
0x8: {  	[smem:$0x3FAE] =	sst s0  }
0x9: {  	[smem:$0x3FAF] =	sst s1  }
0xa: {  	[smem:$0x3FB0] =	sst s2  }
0xb: {  	[smem:$0x3FB1] =	sst s3  }
0xc: {  	[smem:$0x3FB2] =	sst s4  }
0xd: {  	[smem:$0x3FB3] =	sst s5  }
0xe: {  	[smem:$0x3FB4] =	sst s6  }
0xf: {  	[smem:$0x3FB5] =	sst s7  }
0x10: {  	[smem:$0x3FB6] =	sst s8  }
0x11: {  	[smem:$0x3FB7] =	sst s9;
	s0 =	simm.s32 @!p0 $0x0  }
0x12: {  	s1 =	sld [smem:$0x3F9D];
	s0 =	simm.s32 @p0 $0x1  }
0x13: {  	[smem:$0x3FB8] =	sst s0;
	s0 =	simm.s32 @!p1 $0x0  }
0x14: {  	s2 =	sld [smem:$0x3F9C];
	s0 =	simm.s32 @p1 $0x1  }
0x15: {  	[smem:$0x3FB9] =	sst s0;
	s0 =	simm.s32 @!p2 $0x0  }
0x16: {  	s3 =	sld [smem:$0x3FDB];
	s0 =	simm.s32 @p2 $0x1  }
0x17: {  	s4 =	simm.s32 $0x1BF5;
	[smem:$0x3FBB] =	sst s0  }
0x18: {  	s0 =	sld [smem:$0x3F9E];
	_ =	swait.ge [sflag:s4], $0x0  }
0x19: {  	s7 =	sld [smem:$0x3F9F]  }
0x1a: {  	s8 =	sadd.s32 $0xFFFFE003, lr  }
0x1b: {  	s9 =	sadd.s32 $0xFFFFFEF7, lr;
	s5 =	simm.s32 $0xFFFFFFFF;
	p2 =	slt.u32 s8, $0xFFFFF086  }
0x1c: {  	p1 =	slt.u32 s9, $0xF7A;
	s5 =	simm.s32 @!p2 $0x0  }
0x1d: {  	s5 =	simm.s32 @p1 $0x1;
	p0 =	seq.s32 s7, s2  }
0x1e: {  	s7 =	smul.u32 @!p0 $0xF7A, s2;
	p2 =	seq.s32 @!p0 s5, $0x0  }
0x1f: {  	s9 =	smul.u32 $0xF7A, s1;
	s8 =	simm.s32 @!p0 $0x1BF5;
	p2 =	por !p2, p0  }
0x20: {  	[sflag:s8] =	ssyncset.s32 @!p0 $0xFFFFF086;
	s6 =	sadd.s32 @!p0 s3, s7;
	s7 =	simm.s32 @!p0 $0x108  }
0x21: {  	s3 =	sadd.s32 s3, s9;
	s6 =	sadd.s32 @!p0 $0x88, s6;
	s7 =	simm.s32 @p2 $0x1082  }
0x22: {  	[simem:s7], [sflag:s8] =	dma.local @!p0 [hbm:s6], $0xF7A  }
0x23: {  	s9 =	sor.u32 $0xD0000000, s2;
	s6 =	simm.s32 $0x108;
	_ =	swait.ge @!p0 [sflag:s8], $0x0  }
0x24: {  	s3 =	sadd.s32 $0x88, s3;
	s6 =	simm.s32 @!p1 $0x1082;
	[sflag:s4] =	ssyncset.s32 $0xFFFFF086  }
0x25: {  	[simem:s6], [sflag:s4] =	dma.local [hbm:s3], $0xF7A  }
0x26: {  	[smem:$0x3F9F] =	sst s1;
	(tag) =	ssettag s2;
	_ =	strace s9  }
0x27: {  	s1 =	sld [smem:$0x3FAF]  }
0x28: {  	s2 =	sld [smem:$0x3FB0]  }
0x29: {  	s4 =	sld [smem:$0x3FB2]  }
0x2a: {  	p0 =	seq.s32 s5, $0x0;
	s5 =	sld [smem:$0x3FB3]  }
0x2b: {  	s6 =	sld [smem:$0x3FB4]  }
0x2c: {  	s7 =	sld [smem:$0x3FB5]  }
0x2d: {  	s3 =	simm.s32 $0x108;
	s8 =	sld [smem:$0x3FB6]  }
0x2e: {  	s3 =	simm.s32 @!p0 $0x1082;
	s9 =	sld [smem:$0x3FB7]  }
0x2f: {  	lr =	sadd.s32 s0, s3;
	s0 =	sld [smem:$0x3FAE]  }
0x30: {  	s3 =	sld [smem:$0x3FB1]  }
0x31: {  	[smem:$0x3FBA] =	sst s10  }
0x32: {  	s10 =	sld [smem:$0x3FB8];
	_ =	sdelay $0x3  }
0x33: {  	p0 =	seq.s32 s10, $0x1;
	s10 =	sld [smem:$0x3FBA];
	_ =	sdelay $0x3  }
0x34: {  	[smem:$0x3FBA] =	sst s10  }
0x35: {  	s10 =	sld [smem:$0x3FB9];
	_ =	sdelay $0x3  }
0x36: {  	p1 =	seq.s32 s10, $0x1;
	s10 =	sld [smem:$0x3FBA];
	_ =	sdelay $0x3  }
0x37: {  	[smem:$0x3FBA] =	sst s10  }
0x38: {  	s10 =	sld [smem:$0x3FBB]  }
0x39: {  	_ = 	snop;
	(pc) =	sbr.ind lr, $3  }
0x3a: {  	_ = 	snop  }
0x3b: {  	_ = 	snop  }
0x3c: {  	p2 =	seq.s32 s10, $0x1;
	s10 =	sld [smem:$0x3FBA]  }
0x3d: {  	_ =	shalt  }
0x3e: {  	_ =	shalt  }
0x3f: {  	_ =	shalt  }
0x40: {  	_ =	shalt  }
0x41: {  	_ =	shalt  }
0x42: {  	_ =	shalt  }
0x43: {  	_ =	shalt  }
0x44: {  	_ =	shalt  }
0x45: {  	_ =	shalt  }
0x46: {  	_ =	shalt  }
0x47: {  	_ =	shalt  }
0x48: {  	_ =	shalt  }
0x49: {  	_ =	shalt  }
0x4a: {  	_ =	shalt  }
0x4b: {  	_ =	shalt  }
0x4c: {  	_ =	shalt  }
0x4d: {  	_ =	shalt  }
0x4e: {  	_ =	shalt  }
0x4f: {  	_ =	shalt  }
0x50: {  	_ =	shalt  }
0x51: {  	_ =	shalt  }
0x52: {  	_ =	shalt  }
0x53: {  	_ =	shalt  }
0x54: {  	_ =	shalt  }
0x55: {  	_ =	shalt  }
0x56: {  	_ =	shalt  }
0x57: {  	_ =	shalt  }
0x58: {  	_ =	shalt  }
0x59: {  	_ =	shalt  }
0x5a: {  	_ =	shalt  }
0x5b: {  	_ =	shalt  }
0x5c: {  	_ =	shalt  }
0x5d: {  	_ =	shalt  }
0x5e: {  	_ =	shalt  }
0x5f: {  	_ =	shalt  }
0x60: {  	_ =	shalt  }
0x61: {  	_ =	shalt  }
0x62: {  	_ =	shalt  }
0x63: {  	_ =	shalt  }
0x64: {  	_ =	shalt  }
0x65: {  	_ =	shalt  }
0x66: {  	_ =	shalt  }
0x67: {  	_ =	shalt  }
0x68: {  	_ =	shalt  }
0x69: {  	_ =	shalt  }
0x6a: {  	_ =	shalt  }
0x6b: {  	_ =	shalt  }
0x6c: {  	_ =	shalt  }
0x6d: {  	_ =	shalt  }
0x6e: {  	_ =	shalt  }
0x6f: {  	_ =	shalt  }
0x70: {  	_ =	shalt  }
0x71: {  	_ =	shalt  }
0x72: {  	_ =	shalt  }
0x73: {  	_ =	shalt  }
0x74: {  	_ =	shalt  }
0x75: {  	_ =	shalt  }
0x76: {  	_ =	shalt  }
0x77: {  	_ =	shalt  }
0x78: {  	_ =	shalt  }
0x79: {  	_ =	shalt  }
0x7a: {  	_ =	shalt  }
0x7b: {  	_ =	shalt  }
0x7c: {  	_ =	shalt  }
0x7d: {  	_ =	shalt  }
0x7e: {  	_ =	shalt  }
0x7f: {  	_ =	shalt  }
0x80: {  	_ =	shalt  }
0x81: {  	_ =	shalt  }
0x82: {  	_ =	shalt  }
0x83: {  	_ =	shalt  }
0x84: {  	_ =	shalt  }
0x85: {  	_ =	shalt  }
0x86: {  	_ =	shalt  }
0x87: {  	_ =	shalt  }
.Lfunc_end0:
.L_simem_size_0:
called_computation_lowered:
.L_overlay_start_0:
0x88: {  	s2 =	sld [smem:$0x3FD9]  }
0x89: {  	s3 =	sld [smem:$0x3FFE];
	_ =	sdelay $0x1  }
0x8a: {  	s1 =	srdreg.scid  }
0x8b: {  	s0 =	sand.u32 $0x1, s1  }
0x8c: {  	s17 =	sshll.u32 s0, $0xA;
	s2 =	sadd.s32 s3, s2  }
0x8d: {  	s2 =	sadd.s32 s2, s17  }
0x8e: {  	[smem:$0x3FC6] =	sst s2  }
0x8f: {  	_ = 	snop  }
0x90: {  	s2 =	sld [smem:$0x3FD0];
	(tm) =	ssettm $0x1  }
0x91: {  	s18 =	sld [smem:$0x3FFB];
	_ =	sdelay $0x3  }
0x92: {  	_ =	strace s18  }
0x93: {  	s3 =	sld [smem:$0x3FFC];
	_ =	sdelay $0x3  }
0x94: {  	_ =	strace s3  }
0x95: {  	s3 =	sld [smem:$0x3FFD];
	_ =	sdelay $0x3  }
0x96: {  	_ =	strace s3  }
0x97: {  	_ =	strace $0x8FFFFFFF  }
0x98: {  	s19 =	sld [smem:$0x3FDB];
	_ =	sdelay $0x1  }
0x99: {  	s4 =	simm.s32 $_scs_section_size  }
0x9a: {  	s5 =	simm.s32 $_size__tile_overlayer_lowered;
	s6 =	simm.s32 $_tile_overlayer_lowered  }
0x9b: {  	s22 =	simm.s32 $0x1BFF;
	s21 =	sshll.u32 s6, $0x1;
	s3 =	sadd.s32 s4, s19  }
0x9c: {  	s7 =	simm.s32 $0x0;
	s20 =	sshll.u32 s5, $0x1;
	s5 =	sadd.s32 s21, s3  }
0x9d: {  	[timem:s7], [sflag:s22] =	dma.local [hbm:s5], s20  }
0x9e: {  	_ =	swait.ge [sflag:s22], s20  }
0x9f: {  	s4 =	ssub.s32 $0x0, s20;
	[sflag:s22] =	ssyncset.done $0x0  }
0xa0: {  	[sflag:s22] =	ssyncadd.s32 s4;
	_ =	sdelay $0x1  }
0xa1: {  	s23 =	simm.s32 $0x1B8B  }
0xa2: {  	_ =	swait.ge [sflag:s23], $0x1  }
0xa3: {  	[sflag:s23] =	ssyncset.done $0x0  }
0xa4: {  	s25 =	simm.s32 $0x1B8E;
	s24 =	sld [smem:$0x3FFE];
	[sflag:s23] =	ssyncadd.s32 $0xFFFFFFFF  }
0xa5: {  	s26 =	simm.s32 $execute0_lowered;
	[smem:$0x3FD2] =	sst s25  }
0xa6: {  	s5 =	sshll.u32 s26, $0x1;
	_ =	strace $0x80000046;
	[dreg:$0x1] =	wrdreg $0xFFFFFFFF  }
0xa7: {  	s28 =	simm.s32 $_size_execute0_lowered;
	s3 =	sadd.s32 s3, s5;
	[dreg:$0x0] =	wrdreg $0x0  }
0xa8: {  	s5 =	sshll.u32 s28, $0x1;
	[dreg:$0x2] =	wrdreg s3  }
0xa9: {  	[dreg:$0x3] =	wrdreg s5  }
0xaa: {  	[dreg:$0x4] =	wrdreg $0xC0  }
0xab: {  	_ =	task [dreg:s7], $0x5FFFF  }
0xac: {  	[dreg:$0x1] =	wrdreg $0xFFFFFFFF  }
0xad: {  	[dreg:$0x0] =	wrdreg $0x60  }
0xae: {  	[dreg:$0x2] =	wrdreg s2  }
0xaf: {  	[dreg:$0x3] =	wrdreg s24  }
0xb0: {  	[dreg:$0x4] =	wrdreg $0x9  }
0xb1: {  	_ =	task.clear_ibuf [dreg:s7], $0x5FFFF;
	_ =	strace $0x90000046  }
0xb2: {  	s29 =	simm.s32 $0x9;
	_ =	strace $0x80000048  }
0xb3: {  	_ =	swait.ge [sflag:s29], $0x1  }
0xb4: {  	[sflag:s29] =	ssyncadd.s32 $0xFFFFFFFF  }
0xb5: {  	_ =	strace $0x90000048  }
0xb6: {  	_ =	sfence  }
0xb7: {  	s30 =	sld [smem:$0x0];
	_ =	sdelay $0x2  }
0xb8: {  	s31 =	sshll.u32 s1, $0xD;
	s1 =	sshrl.u32 s1, $0x2  }
0xb9: {  	s3 =	sand.u32 $0x4000, s31;
	s1 =	sadd.s32 s1, s30  }
0xba: {  	s0 =	sor.u32 s3, s0;
	s1 =	sshll.u32 s1, $0x11  }
0xbb: {  	s0 =	sor.u32 s1, s0  }
0xbc: {  	s0 =	sadd.s32 $0x8F2B, s0  }
0xbd: {  	[sflag:s0] =	ssyncadd.remote.s32 $0x1  }
0xbe: {  	_ =	sfence.sel $0xFFFF  }
0xbf: {  	[dreg:$0x0] =	wrdreg $0xFFFFFFFF;
	(pc) =	sbr.abs _section_cstart, $3  }
0xc0: {  	[dreg:$0x1] =	wrdreg $0xFFFFFFFF  }
0xc1: {  	_ =	task.clear_ibuf [dreg:s7], $0x2FFFF;
	_ =	strace $0x9FFFFFFF  }
0xc2: {  	(tm) =	ssettm $0x7FFFFFFF  }
0xc3: {  	_ =	shalt  }
tec
execute0_lowered:
.L_overlay_start_1:
0x0: {  	(tag) =	ssettag $0x1  }
0x1: {  	s0 =	srdreg.scid;
	s1 =	stileid.u32  }
0x2: {  	s2 =	rddreg [dreg:$0x0];
	s0 =	sand.u32 $0x1, s0;
	s1 =	sshll.u32 s1, $0x1  }
0x3: {  	s7 =	rddreg [dreg:$0x1];
	s1 =	sor.u32 s0, s1;
	s0 =	ssub.s32 $0x2, s0  }
0x4: {  	s3 =	simm.s32 $0x0;
	s4 =	smul.u32 $0xC0000, s1;
	s18 =	sshrl.u32 s0, $0x1  }
0x5: {  	[smem:$0x7FF] =	sst s3;
	s6 =	sadd.s32 $0x400, s7;
	s0 =	ssub.s32 s0, s18  }
0x6: {  	s7 =	sadd.s32 $0xC0400, s7;
	s19 =	sshrl.u32 s4, $0x3;
	s0 =	smax.u32 s0, $0x1  }
0x7: {  	_ =	strace $0x80000047;
	s11 =	sadd.s32 s2, s19;
	[dreg:$0x14] =	wrdreg s0  }
0x8: {  	s20 =	sor.u32 $0x600, s19;
	s26 =	sadd.s32 s7, s19;
	[dreg:$0x3] =	wrdreg s11  }
0x9: {  	s22 =	sor.u32 $0xC00, s19;
	s9 =	sadd.s32 s2, s20;
	[dreg:$0xb] =	wrdreg s26  }
0xa: {  	s24 =	sor.u32 $0x1200, s19;
	s10 =	sadd.s32 s2, s22;
	[dreg:$0x5] =	wrdreg s9  }
0xb: {  	s28 =	simm.s32 $0x7;
	s13 =	sadd.s32 s2, s24;
	[dreg:$0x7] =	wrdreg s10  }
0xc: {  	s5 =	sshll.u32 s1, $0xA;
	s14 =	sadd.s32 $0x1800, s11;
	[dreg:$0x9] =	wrdreg s13  }
0xd: {  	s17 =	sand.u32 $0x1C00, s5;
	s16 =	sadd.s32 $0x1E00, s11;
	[dreg:$0xc] =	wrdreg s14  }
0xe: {  	s5 =	smul.u32 $0x300, s17;
	s17 =	sadd.s32 s7, s22;
	[dreg:$0xf] =	wrdreg s16  }
0xf: {  	s1 =	sadd.s32 $0x17A00, s19;
	s18 =	sadd.s32 s7, s24;
	[dreg:$0x10] =	wrdreg s17  }
0x10: {  	s29 =	simm.s32 $0xB;
	s19 =	sadd.s32 s2, s1;
	[dreg:$0x11] =	wrdreg s18  }
0x11: {  	s30 =	sor.u32 $0x3000, s4;
	s1 =	sadd.s32 s7, s1;
	[dreg:$0x12] =	wrdreg s19  }
0x12: {  	s8 =	sshrl.u32 s5, $0x3;
	s24 =	sadd.s32 $0x16800, s26;
	[dreg:$0x13] =	wrdreg s1  }
0x13: {  	s12 =	sadd.s32 s6, s8;
	s8 =	sadd.s32 s7, s20;
	[dreg:$0x19] =	wrdreg s24  }
0x14: {  	s31 =	sor.u32 $0x6000, s4;
	s0 =	simm.s32 $0x8;
	[dreg:$0xe] =	wrdreg s8  }
0x15: {  	s13 =	simm.s32 $0x3000;
	s21 =	sadd.s32 $0x600, s12;
	[dreg:$0x4] =	wrdreg s12  }
0x16: {  	s17 =	simm.s32 $0x12000;
	s23 =	sadd.s32 $0xC00, s12;
	[dreg:$0x6] =	wrdreg s21  }
0x17: {  	s18 =	simm.s32 $0x9000;
	s25 =	sadd.s32 $0x1200, s12;
	[dreg:$0x8] =	wrdreg s23  }
0x18: {  	s19 =	simm.s32 $0x15000;
	s15 =	sadd.s32 $0x1800, s12;
	[dreg:$0xa] =	wrdreg s25  }
0x19: {  	s24 =	simm.s32 $0x6;
	s20 =	sadd.s32 $0x1E00, s12;
	[dreg:$0xd] =	wrdreg s15  }
0x1a: {  	s1 =	simm.s32 $0x4;
	s22 =	sadd.s32 $0x2400, s12;
	[dreg:$0x15] =	wrdreg s20  }
0x1b: {  	s10 =	simm.s32 $0xC;
	s21 =	sadd.s32 $0x2400, s11;
	[dreg:$0x17] =	wrdreg s22  }
0x1c: {  	s9 =	simm.s32 $0x0;
	s23 =	sadd.s32 $0x17A00, s12;
	[dreg:$0x16] =	wrdreg s21  }
0x1d: {  	s25 =	sadd.s32 $0x16E00, s26;
	s26 =	sadd.s32 $0x17400, s26;
	[dreg:$0x18] =	wrdreg s23  }
0x1e: {  	s15 =	simm.s32 $0x6000;
	s20 =	simm.s32 $0x1;
	[dreg:$0x1a] =	wrdreg s25  }
0x1f: {  	s22 =	simm.s32 $0x9;
	[dreg:$0x1b] =	wrdreg s26;
	s21 =	simm.s32 $0x5  }
0x20: {  	s23 =	simm.s32 $0x2;
	s25 =	simm.s32 $0xA;
	s26 =	simm.s32 $0x3  }
.LBB2_1:
0x21: {  	[dreg:$0x1c] =	wrdreg s9  }
0x22: {  	s8 =	rddreg [dreg:$0x3]  }
0x23: {  	[tilespmem:s3], [sflag:$0x1] =	stream.linear.gather [hbm4b:s8+s3], $0x3000, $0x38;
	[tilespmem:$0x18000] =	vst v63  }
0x24: {  	s9 =	rddreg [dreg:$0x4];
	s11 =	simm.s32 $0xC000  }
0x25: {  	[tilespmem:s11], [sflag:$0x5] =	stream.linear.gather [hbm4b:s9+s3], $0x3000, $0x38;
	[tilespmem:$0x18000] =	vst v63  }
0x26: {  	s12 =	rddreg [dreg:$0x5]  }
0x27: {  	[tilespmem:s13], [sflag:$0x2] =	stream.linear.gather [hbm4b:s12+s3], $0x3000, $0x38;
	[tilespmem:$0x18000] =	vst v63  }
0x28: {  	s14 =	rddreg [dreg:$0x6];
	s16 =	simm.s32 $0xF000  }
0x29: {  	[tilespmem:s16], [sflag:$0x6] =	stream.linear.gather [hbm4b:s14+s3], $0x3000, $0x38;
	[tilespmem:$0x18000] =	vst v63  }
0x2a: {  	s11 =	rddreg [dreg:$0x7]  }
0x2b: {  	[tilespmem:s15], [sflag:$0x3] =	stream.linear.gather [hbm4b:s11+s3], $0x3000, $0x38;
	[tilespmem:$0x18000] =	vst v63  }
0x2c: {  	s12 =	rddreg [dreg:$0x8]  }
0x2d: {  	[tilespmem:s17], [sflag:$0x7] =	stream.linear.gather [hbm4b:s12+s3], $0x3000, $0x38;
	[tilespmem:$0x18000] =	vst v63  }
0x2e: {  	s14 =	rddreg [dreg:$0x9]  }
0x2f: {  	[tilespmem:s18], [sflag:$0x4] =	stream.linear.gather [hbm4b:s14+s3], $0x3000, $0x38;
	[tilespmem:$0x18000] =	vst v63  }
0x30: {  	s16 =	rddreg [dreg:$0xa]  }
0x31: {  	[tilespmem:s19], [sflag:$0x8] =	stream.linear.gather [hbm4b:s16+s3], $0x3000, $0x38;
	[tilespmem:$0x18000] =	vst v63  }
0x32: {  	_ =	swait.ge [sflag:s20], $0x3000  }
0x33: {  	[sflag:s20] =	ssyncset.done $0x0  }
0x34: {  	[sflag:s20] =	ssyncadd.s32 $0xFFFFD000  }
0x35: {  	_ =	swait.ge [sflag:s21], $0x3000  }
0x36: {  	[sflag:s21] =	ssyncset.done $0x0  }
0x37: {  	s8 =	simm.s32 $0x0;
	[sflag:s21] =	ssyncadd.s32 $0xFFFFD000  }
0x38: {  	v5 =	vld [tilespmem:s8+$0xC000]  }
0x39: {  	v6 =	vld [tilespmem:s8+$0xC010]  }
0x3a: {  	v1 =	vld [tilespmem:s8+$0xC020]  }
0x3b: {  	v0 =	vld [tilespmem:s8+$0xC030]  }
0x3c: {  	v2 =	vld [tilespmem:s8+$0x0]  }
0x3d: {  	v4 =	vld [tilespmem:s8+$0x10]  }
0x3e: {  	s9 =	simm.s32 $0x100;
	v3 =	vld [tilespmem:s8+$0x20]  }
.LBB2_2:
0x3f: {  	s11 =	sshra.s32 s9, $0x2;
	p0 =	sne.s32 s9, $0xBF00;
	v7 =	vld [tilespmem:s8+$0x30];
	v8 =	vmov v1  }
0x40: {  	v9 =	vld [tilespmem:s11+$0xC000];
	v10 =	vmov v0  }
0x41: {  	v11 =	vld [tilespmem:s11+$0xC010];
	v2 =	vadd.f32 v5, v2  }
.Ltmp0:
0x42: {  	v1 =	vld [tilespmem:s11+$0xC020];
	v4 =	vadd.f32 v6, v4;
	(pc) =	sbr.rel @p0 .LBB2_2-.Ltmp0, $4  }
0x43: {  	v0 =	vld [tilespmem:s11+$0xC030];
	[tilespmem:s8+$0x0] =	vst v2;
	v3 =	vadd.f32 v8, v3  }
0x44: {  	v2 =	vld [tilespmem:s11+$0x0];
	[tilespmem:s8+$0x10] =	vst v4;
	v7 =	vadd.f32 v10, v7  }
0x45: {  	v4 =	vld [tilespmem:s11+$0x10];
	[tilespmem:s8+$0x20] =	vst v3;
	v5 =	vmov v9  }
0x46: {  	s9 =	sadd.s32 $0x100, s9;
	v3 =	vld [tilespmem:s11+$0x20];
	[tilespmem:s8+$0x30] =	vst v7;
	v6 =	vmov v11;
	s8 =	smov.u32 s11  }
0x47: {  	v7 =	vld [tilespmem:s8+$0x30];
	_ =	sdelay $0x1  }
0x48: {  	v2 =	vadd.f32 v5, v2  }
0x49: {  	v4 =	vadd.f32 v6, v4  }
0x4a: {  	[tilespmem:s8+$0x0] =	vst v2;
	v1 =	vadd.f32 v1, v3  }
0x4b: {  	[tilespmem:s8+$0x10] =	vst v4;
	v0 =	vadd.f32 v0, v7  }
0x4c: {  	[tilespmem:s8+$0x20] =	vst v1  }
0x4d: {  	s12 =	simm.s32 $0x0;
	s9 =	rddreg [dreg:$0xb];
	[tilespmem:s8+$0x30] =	vst v0  }
0x4e: {  	[hbm4b:s9+s12] =	stream.linear.scatter [tilespmem:s12], [sflag:$0x9], $0x3000, $0x38;
	[tilespmem:$0x18000] =	vst v63  }
0x4f: {  	_ =	swait.ge [sflag:s22], $0x3000  }
0x50: {  	[sflag:s22] =	ssyncset.done $0x0  }
0x51: {  	s14 =	rddreg [dreg:$0xc];
	[sflag:s22] =	ssyncadd.s32 $0xFFFFD000  }
0x52: {  	[tilespmem:s12], [sflag:$0x1] =	stream.linear.gather [hbm4b:s14+s12], $0x3000, $0x38;
	[tilespmem:$0x18000] =	vst v63  }
0x53: {  	s11 =	simm.s32 $0xC000;
	s16 =	rddreg [dreg:$0xd]  }
0x54: {  	[tilespmem:s11], [sflag:$0x5] =	stream.linear.gather [hbm4b:s16+s12], $0x3000, $0x38;
	[tilespmem:$0x18000] =	vst v63  }
0x55: {  	_ =	swait.ge [sflag:s23], $0x3000  }
0x56: {  	[sflag:s23] =	ssyncset.done $0x0  }
0x57: {  	[sflag:s23] =	ssyncadd.s32 $0xFFFFD000  }
0x58: {  	_ =	swait.ge [sflag:s24], $0x3000  }
0x59: {  	[sflag:s24] =	ssyncset.done $0x0  }
0x5a: {  	s8 =	simm.s32 $0x0;
	[sflag:s24] =	ssyncadd.s32 $0xFFFFD000  }
0x5b: {  	v5 =	vld [tilespmem:s8+$0xF000]  }
0x5c: {  	v6 =	vld [tilespmem:s8+$0xF010]  }
0x5d: {  	v1 =	vld [tilespmem:s8+$0xF020]  }
0x5e: {  	v0 =	vld [tilespmem:s8+$0xF030]  }
0x5f: {  	v2 =	vld [tilespmem:s8+$0x3000]  }
0x60: {  	v4 =	vld [tilespmem:s8+$0x3010]  }
0x61: {  	s9 =	simm.s32 $0x100;
	v3 =	vld [tilespmem:s8+$0x3020]  }
.LBB2_4:
0x62: {  	s11 =	sshra.s32 s9, $0x2;
	p0 =	sne.s32 s9, $0xBF00;
	v7 =	vld [tilespmem:s8+$0x3030];
	v8 =	vmov v1  }
0x63: {  	v9 =	vld [tilespmem:s11+$0xF000];
	v10 =	vmov v0  }
0x64: {  	v11 =	vld [tilespmem:s11+$0xF010];
	v2 =	vadd.f32 v5, v2  }
.Ltmp1:
0x65: {  	v1 =	vld [tilespmem:s11+$0xF020];
	v4 =	vadd.f32 v6, v4;
	(pc) =	sbr.rel @p0 .LBB2_4-.Ltmp1, $4  }
0x66: {  	v0 =	vld [tilespmem:s11+$0xF030];
	[tilespmem:s8+$0x3000] =	vst v2;
	v3 =	vadd.f32 v8, v3  }
0x67: {  	v2 =	vld [tilespmem:s11+$0x3000];
	[tilespmem:s8+$0x3010] =	vst v4;
	v7 =	vadd.f32 v10, v7  }
0x68: {  	v4 =	vld [tilespmem:s11+$0x3010];
	[tilespmem:s8+$0x3020] =	vst v3;
	v5 =	vmov v9  }
0x69: {  	s9 =	sadd.s32 $0x100, s9;
	v3 =	vld [tilespmem:s11+$0x3020];
	[tilespmem:s8+$0x3030] =	vst v7;
	v6 =	vmov v11;
	s8 =	smov.u32 s11  }
0x6a: {  	v7 =	vld [tilespmem:s8+$0x3030];
	_ =	sdelay $0x1  }
0x6b: {  	v2 =	vadd.f32 v5, v2  }
0x6c: {  	v4 =	vadd.f32 v6, v4  }
0x6d: {  	[tilespmem:s8+$0x3000] =	vst v2;
	v1 =	vadd.f32 v1, v3  }
0x6e: {  	[tilespmem:s8+$0x3010] =	vst v4;
	v0 =	vadd.f32 v0, v7  }
0x6f: {  	[tilespmem:s8+$0x3020] =	vst v1  }
0x70: {  	s12 =	simm.s32 $0x0;
	s9 =	rddreg [dreg:$0xe];
	[tilespmem:s8+$0x3030] =	vst v0  }
0x71: {  	[hbm4b:s9+s12] =	stream.linear.scatter [tilespmem:s13], [sflag:$0xA], $0x3000, $0x38;
	[tilespmem:$0x18000] =	vst v63  }
0x72: {  	_ =	swait.ge [sflag:s25], $0x3000  }
0x73: {  	[sflag:s25] =	ssyncset.done $0x0  }
0x74: {  	s14 =	rddreg [dreg:$0xf];
	[sflag:s25] =	ssyncadd.s32 $0xFFFFD000  }
0x75: {  	[tilespmem:s13], [sflag:$0x2] =	stream.linear.gather [hbm4b:s14+s12], $0x3000, $0x38;
	[tilespmem:$0x18000] =	vst v63  }
0x76: {  	s11 =	simm.s32 $0xF000;
	s16 =	rddreg [dreg:$0x15]  }
0x77: {  	[tilespmem:s11], [sflag:$0x6] =	stream.linear.gather [hbm4b:s16+s12], $0x3000, $0x38;
	[tilespmem:$0x18000] =	vst v63  }
0x78: {  	_ =	swait.ge [sflag:s26], $0x3000  }
0x79: {  	[sflag:s26] =	ssyncset.done $0x0  }
0x7a: {  	[sflag:s26] =	ssyncadd.s32 $0xFFFFD000  }
0x7b: {  	_ =	swait.ge [sflag:s28], $0x3000  }
0x7c: {  	[sflag:s28] =	ssyncset.done $0x0  }
0x7d: {  	s8 =	simm.s32 $0x0;
	[sflag:s28] =	ssyncadd.s32 $0xFFFFD000  }
0x7e: {  	v5 =	vld [tilespmem:s8+$0x12000]  }
0x7f: {  	v6 =	vld [tilespmem:s8+$0x12010]  }
0x80: {  	v1 =	vld [tilespmem:s8+$0x12020]  }
0x81: {  	v0 =	vld [tilespmem:s8+$0x12030]  }
0x82: {  	v2 =	vld [tilespmem:s8+$0x6000]  }
0x83: {  	v4 =	vld [tilespmem:s8+$0x6010]  }
0x84: {  	s9 =	simm.s32 $0x100;
	v3 =	vld [tilespmem:s8+$0x6020]  }
.LBB2_6:
0x85: {  	s11 =	sshra.s32 s9, $0x2;
	p0 =	sne.s32 s9, $0xBF00;
	v7 =	vld [tilespmem:s8+$0x6030];
	v8 =	vmov v1  }
0x86: {  	v9 =	vld [tilespmem:s11+$0x12000];
	v10 =	vmov v0  }
0x87: {  	v11 =	vld [tilespmem:s11+$0x12010];
	v2 =	vadd.f32 v5, v2  }
.Ltmp2:
0x88: {  	v1 =	vld [tilespmem:s11+$0x12020];
	v4 =	vadd.f32 v6, v4;
	(pc) =	sbr.rel @p0 .LBB2_6-.Ltmp2, $4  }
0x89: {  	v0 =	vld [tilespmem:s11+$0x12030];
	[tilespmem:s8+$0x6000] =	vst v2;
	v3 =	vadd.f32 v8, v3  }
0x8a: {  	v2 =	vld [tilespmem:s11+$0x6000];
	[tilespmem:s8+$0x6010] =	vst v4;
	v7 =	vadd.f32 v10, v7  }
0x8b: {  	v4 =	vld [tilespmem:s11+$0x6010];
	[tilespmem:s8+$0x6020] =	vst v3;
	v5 =	vmov v9  }
0x8c: {  	s9 =	sadd.s32 $0x100, s9;
	v3 =	vld [tilespmem:s11+$0x6020];
	[tilespmem:s8+$0x6030] =	vst v7;
	v6 =	vmov v11;
	s8 =	smov.u32 s11  }
0x8d: {  	v7 =	vld [tilespmem:s8+$0x6030];
	_ =	sdelay $0x1  }
0x8e: {  	v2 =	vadd.f32 v5, v2  }
0x8f: {  	v4 =	vadd.f32 v6, v4  }
0x90: {  	[tilespmem:s8+$0x6000] =	vst v2;
	v1 =	vadd.f32 v1, v3  }
0x91: {  	[tilespmem:s8+$0x6010] =	vst v4;
	v0 =	vadd.f32 v0, v7  }
0x92: {  	[tilespmem:s8+$0x6020] =	vst v1  }
0x93: {  	s12 =	simm.s32 $0x0;
	s9 =	rddreg [dreg:$0x10];
	[tilespmem:s8+$0x6030] =	vst v0  }
0x94: {  	[hbm4b:s9+s12] =	stream.linear.scatter [tilespmem:s15], [sflag:$0xB], $0x3000, $0x38;
	[tilespmem:$0x18000] =	vst v63  }
0x95: {  	_ =	swait.ge [sflag:s29], $0x3000  }
0x96: {  	[sflag:s29] =	ssyncset.done $0x0  }
0x97: {  	s14 =	rddreg [dreg:$0x16];
	[sflag:s29] =	ssyncadd.s32 $0xFFFFD000  }
0x98: {  	[tilespmem:s15], [sflag:$0x3] =	stream.linear.gather [hbm4b:s14+s12], $0x3000, $0x38;
	[tilespmem:$0x18000] =	vst v63  }
0x99: {  	s16 =	rddreg [dreg:$0x17]  }
0x9a: {  	[tilespmem:s17], [sflag:$0x7] =	stream.linear.gather [hbm4b:s16+s12], $0x3000, $0x38;
	[tilespmem:$0x18000] =	vst v63  }
0x9b: {  	_ =	swait.ge [sflag:s1], $0x3000  }
0x9c: {  	[sflag:s1] =	ssyncset.done $0x0  }
0x9d: {  	[sflag:s1] =	ssyncadd.s32 $0xFFFFD000  }
0x9e: {  	_ =	swait.ge [sflag:s0], $0x3000  }
0x9f: {  	[sflag:s0] =	ssyncset.done $0x0  }
0xa0: {  	s8 =	simm.s32 $0x0;
	[sflag:s0] =	ssyncadd.s32 $0xFFFFD000  }
0xa1: {  	v5 =	vld [tilespmem:s8+$0x15000]  }
0xa2: {  	v6 =	vld [tilespmem:s8+$0x15010]  }
0xa3: {  	v1 =	vld [tilespmem:s8+$0x15020]  }
0xa4: {  	v0 =	vld [tilespmem:s8+$0x15030]  }
0xa5: {  	v2 =	vld [tilespmem:s8+$0x9000]  }
0xa6: {  	v4 =	vld [tilespmem:s8+$0x9010]  }
0xa7: {  	s9 =	simm.s32 $0x100;
	v3 =	vld [tilespmem:s8+$0x9020]  }
.LBB2_8:
0xa8: {  	s11 =	sshra.s32 s9, $0x2;
	p0 =	sne.s32 s9, $0xBF00;
	v7 =	vld [tilespmem:s8+$0x9030];
	v8 =	vmov v1  }
0xa9: {  	v9 =	vld [tilespmem:s11+$0x15000];
	v10 =	vmov v0  }
0xaa: {  	v11 =	vld [tilespmem:s11+$0x15010];
	v2 =	vadd.f32 v5, v2  }
.Ltmp3:
0xab: {  	v1 =	vld [tilespmem:s11+$0x15020];
	v4 =	vadd.f32 v6, v4;
	(pc) =	sbr.rel @p0 .LBB2_8-.Ltmp3, $4  }
0xac: {  	v0 =	vld [tilespmem:s11+$0x15030];
	[tilespmem:s8+$0x9000] =	vst v2;
	v3 =	vadd.f32 v8, v3  }
0xad: {  	v2 =	vld [tilespmem:s11+$0x9000];
	[tilespmem:s8+$0x9010] =	vst v4;
	v7 =	vadd.f32 v10, v7  }
0xae: {  	v4 =	vld [tilespmem:s11+$0x9010];
	[tilespmem:s8+$0x9020] =	vst v3;
	v5 =	vmov v9  }
0xaf: {  	s9 =	sadd.s32 $0x100, s9;
	v3 =	vld [tilespmem:s11+$0x9020];
	[tilespmem:s8+$0x9030] =	vst v7;
	v6 =	vmov v11;
	s8 =	smov.u32 s11  }
0xb0: {  	v7 =	vld [tilespmem:s8+$0x9030];
	_ =	sdelay $0x1  }
0xb1: {  	v2 =	vadd.f32 v5, v2  }
0xb2: {  	v4 =	vadd.f32 v6, v4  }
0xb3: {  	[tilespmem:s8+$0x9000] =	vst v2;
	v1 =	vadd.f32 v1, v3  }
0xb4: {  	[tilespmem:s8+$0x9010] =	vst v4;
	v0 =	vadd.f32 v0, v7  }
0xb5: {  	[tilespmem:s8+$0x9020] =	vst v1  }
0xb6: {  	s16 =	rddreg [dreg:$0x11];
	[tilespmem:s8+$0x9030] =	vst v0;
	s8 =	simm.s32 $0x1  }
0xb7: {  	[hbm4b:s16+s3] =	stream.linear.scatter [tilespmem:s18], [sflag:$0xC], $0x3000, $0x38;
	[tilespmem:$0x18000] =	vst v63  }
.LBB2_10:
0xb8: {  	s9 =	smul.u32 $0xC000, s8;
	_ =	sdelay $0x1  }
0xb9: {  	s11 =	sadd.s32 $0x9000, s9  }
0xba: {  	_ =	swait.ge [sflag:s10], $0x3000;
	s14 =	simm.s32 $0x0;
	s12 =	sadd.s32 s4, s11  }
0xbb: {  	[sflag:s10] =	ssyncset.done $0x0;
	s11 =	sadd.s32 s5, s11;
	s16 =	sshrl.u32 s12, $0x3  }
0xbc: {  	[sflag:s10] =	ssyncadd.s32 $0xFFFFD000;
	s11 =	sshrl.u32 s11, $0x3;
	s12 =	sadd.s32 s2, s16  }
0xbd: {  	[tilespmem:s18], [sflag:$0x4] =	stream.linear.gather [hbm4b:s12+s14], $0x3000, $0x38;
	[tilespmem:$0x18000] =	vst v63  }
0xbe: {  	s11 =	sadd.s32 s6, s11  }
0xbf: {  	[tilespmem:s19], [sflag:$0x8] =	stream.linear.gather [hbm4b:s11+s14], $0x3000, $0x38;
	[tilespmem:$0x18000] =	vst v63  }
0xc0: {  	_ =	swait.ge [sflag:s20], $0x3000  }
0xc1: {  	[sflag:s20] =	ssyncset.done $0x0  }
0xc2: {  	[sflag:s20] =	ssyncadd.s32 $0xFFFFD000  }
0xc3: {  	_ =	swait.ge [sflag:s21], $0x3000  }
0xc4: {  	[sflag:s21] =	ssyncset.done $0x0  }
0xc5: {  	s11 =	simm.s32 $0x0;
	[sflag:s21] =	ssyncadd.s32 $0xFFFFD000  }
0xc6: {  	v5 =	vld [tilespmem:s11+$0xC000]  }
0xc7: {  	v6 =	vld [tilespmem:s11+$0xC010]  }
0xc8: {  	v1 =	vld [tilespmem:s11+$0xC020]  }
0xc9: {  	v0 =	vld [tilespmem:s11+$0xC030]  }
0xca: {  	v2 =	vld [tilespmem:s11+$0x0]  }
0xcb: {  	v4 =	vld [tilespmem:s11+$0x10]  }
0xcc: {  	s12 =	simm.s32 $0x100;
	v3 =	vld [tilespmem:s11+$0x20]  }
.LBB2_11:
0xcd: {  	s14 =	sshra.s32 s12, $0x2;
	p0 =	sne.s32 s12, $0xBF00;
	v7 =	vld [tilespmem:s11+$0x30];
	v8 =	vmov v1  }
0xce: {  	v9 =	vld [tilespmem:s14+$0xC000];
	v10 =	vmov v0  }
0xcf: {  	v11 =	vld [tilespmem:s14+$0xC010];
	v2 =	vadd.f32 v5, v2  }
.Ltmp4:
0xd0: {  	v1 =	vld [tilespmem:s14+$0xC020];
	v4 =	vadd.f32 v6, v4;
	(pc) =	sbr.rel @p0 .LBB2_11-.Ltmp4, $4  }
0xd1: {  	v0 =	vld [tilespmem:s14+$0xC030];
	[tilespmem:s11+$0x0] =	vst v2;
	v3 =	vadd.f32 v8, v3  }
0xd2: {  	v2 =	vld [tilespmem:s14+$0x0];
	[tilespmem:s11+$0x10] =	vst v4;
	v7 =	vadd.f32 v10, v7  }
0xd3: {  	v4 =	vld [tilespmem:s14+$0x10];
	[tilespmem:s11+$0x20] =	vst v3;
	v5 =	vmov v9  }
0xd4: {  	s12 =	sadd.s32 $0x100, s12;
	v3 =	vld [tilespmem:s14+$0x20];
	[tilespmem:s11+$0x30] =	vst v7;
	v6 =	vmov v11;
	s11 =	smov.u32 s14  }
0xd5: {  	v7 =	vld [tilespmem:s11+$0x30];
	_ =	sdelay $0x1  }
0xd6: {  	v2 =	vadd.f32 v5, v2  }
0xd7: {  	v4 =	vadd.f32 v6, v4  }
0xd8: {  	[tilespmem:s11+$0x0] =	vst v2;
	v1 =	vadd.f32 v1, v3  }
0xd9: {  	s12 =	sadd.s32 s4, s9;
	[tilespmem:s11+$0x10] =	vst v4;
	v0 =	vadd.f32 v0, v7  }
0xda: {  	s12 =	sshrl.u32 s12, $0x3;
	[tilespmem:s11+$0x20] =	vst v1  }
0xdb: {  	s14 =	sadd.s32 s7, s12;
	s12 =	simm.s32 $0x0;
	[tilespmem:s11+$0x30] =	vst v0;
	s11 =	sadd.s32 $0xC000, s9  }
0xdc: {  	[hbm4b:s14+s12] =	stream.linear.scatter [tilespmem:s12], [sflag:$0x9], $0x3000, $0x38;
	[tilespmem:$0x18000] =	vst v63  }
0xdd: {  	s14 =	sadd.s32 s4, s11;
	_ =	swait.ge [sflag:s22], $0x3000  }
0xde: {  	s11 =	sadd.s32 s5, s11;
	s14 =	sshrl.u32 s14, $0x3;
	[sflag:s22] =	ssyncset.done $0x0  }
0xdf: {  	s11 =	sshrl.u32 s11, $0x3;
	s14 =	sadd.s32 s2, s14;
	[sflag:s22] =	ssyncadd.s32 $0xFFFFD000  }
0xe0: {  	[tilespmem:s12], [sflag:$0x1] =	stream.linear.gather [hbm4b:s14+s12], $0x3000, $0x38;
	[tilespmem:$0x18000] =	vst v63  }
0xe1: {  	s11 =	sadd.s32 s6, s11;
	s14 =	simm.s32 $0xC000  }
0xe2: {  	[tilespmem:s14], [sflag:$0x5] =	stream.linear.gather [hbm4b:s11+s12], $0x3000, $0x38;
	[tilespmem:$0x18000] =	vst v63  }
0xe3: {  	_ =	swait.ge [sflag:s23], $0x3000  }
0xe4: {  	[sflag:s23] =	ssyncset.done $0x0  }
0xe5: {  	[sflag:s23] =	ssyncadd.s32 $0xFFFFD000  }
0xe6: {  	_ =	swait.ge [sflag:s24], $0x3000  }
0xe7: {  	[sflag:s24] =	ssyncset.done $0x0  }
0xe8: {  	s11 =	simm.s32 $0x0;
	[sflag:s24] =	ssyncadd.s32 $0xFFFFD000  }
0xe9: {  	v5 =	vld [tilespmem:s11+$0xF000]  }
0xea: {  	v6 =	vld [tilespmem:s11+$0xF010]  }
0xeb: {  	v1 =	vld [tilespmem:s11+$0xF020]  }
0xec: {  	v0 =	vld [tilespmem:s11+$0xF030]  }
0xed: {  	v2 =	vld [tilespmem:s11+$0x3000]  }
0xee: {  	v4 =	vld [tilespmem:s11+$0x3010]  }
0xef: {  	s12 =	simm.s32 $0x100;
	v3 =	vld [tilespmem:s11+$0x3020]  }
.LBB2_13:
0xf0: {  	s14 =	sshra.s32 s12, $0x2;
	p0 =	sne.s32 s12, $0xBF00;
	v7 =	vld [tilespmem:s11+$0x3030];
	v8 =	vmov v1  }
0xf1: {  	v9 =	vld [tilespmem:s14+$0xF000];
	v10 =	vmov v0  }
0xf2: {  	v11 =	vld [tilespmem:s14+$0xF010];
	v2 =	vadd.f32 v5, v2  }
.Ltmp5:
0xf3: {  	v1 =	vld [tilespmem:s14+$0xF020];
	v4 =	vadd.f32 v6, v4;
	(pc) =	sbr.rel @p0 .LBB2_13-.Ltmp5, $4  }
0xf4: {  	v0 =	vld [tilespmem:s14+$0xF030];
	[tilespmem:s11+$0x3000] =	vst v2;
	v3 =	vadd.f32 v8, v3  }
0xf5: {  	v2 =	vld [tilespmem:s14+$0x3000];
	[tilespmem:s11+$0x3010] =	vst v4;
	v7 =	vadd.f32 v10, v7  }
0xf6: {  	v4 =	vld [tilespmem:s14+$0x3010];
	[tilespmem:s11+$0x3020] =	vst v3;
	v5 =	vmov v9  }
0xf7: {  	s12 =	sadd.s32 $0x100, s12;
	v3 =	vld [tilespmem:s14+$0x3020];
	[tilespmem:s11+$0x3030] =	vst v7;
	v6 =	vmov v11;
	s11 =	smov.u32 s14  }
0xf8: {  	v7 =	vld [tilespmem:s11+$0x3030];
	_ =	sdelay $0x1  }
0xf9: {  	v2 =	vadd.f32 v5, v2  }
0xfa: {  	v4 =	vadd.f32 v6, v4  }
0xfb: {  	[tilespmem:s11+$0x3000] =	vst v2;
	v1 =	vadd.f32 v1, v3  }
0xfc: {  	s12 =	sadd.s32 s9, s30;
	[tilespmem:s11+$0x3010] =	vst v4;
	v0 =	vadd.f32 v0, v7  }
0xfd: {  	s12 =	sshrl.u32 s12, $0x3;
	[tilespmem:s11+$0x3020] =	vst v1  }
0xfe: {  	s14 =	sadd.s32 s7, s12;
	s12 =	simm.s32 $0x0;
	[tilespmem:s11+$0x3030] =	vst v0;
	s11 =	sadd.s32 $0xF000, s9  }
0xff: {  	[hbm4b:s14+s12] =	stream.linear.scatter [tilespmem:s13], [sflag:$0xA], $0x3000, $0x38;
	[tilespmem:$0x18000] =	vst v63  }
0x100: {  	s14 =	sadd.s32 s4, s11;
	_ =	swait.ge [sflag:s25], $0x3000  }
0x101: {  	s11 =	sadd.s32 s5, s11;
	s14 =	sshrl.u32 s14, $0x3;
	[sflag:s25] =	ssyncset.done $0x0  }
0x102: {  	s11 =	sshrl.u32 s11, $0x3;
	s14 =	sadd.s32 s2, s14;
	[sflag:s25] =	ssyncadd.s32 $0xFFFFD000  }
0x103: {  	[tilespmem:s13], [sflag:$0x2] =	stream.linear.gather [hbm4b:s14+s12], $0x3000, $0x38;
	[tilespmem:$0x18000] =	vst v63  }
0x104: {  	s11 =	sadd.s32 s6, s11;
	s14 =	simm.s32 $0xF000  }
0x105: {  	[tilespmem:s14], [sflag:$0x6] =	stream.linear.gather [hbm4b:s11+s12], $0x3000, $0x38;
	[tilespmem:$0x18000] =	vst v63  }
0x106: {  	_ =	swait.ge [sflag:s26], $0x3000  }
0x107: {  	[sflag:s26] =	ssyncset.done $0x0  }
0x108: {  	[sflag:s26] =	ssyncadd.s32 $0xFFFFD000  }
0x109: {  	_ =	swait.ge [sflag:s28], $0x3000  }
0x10a: {  	[sflag:s28] =	ssyncset.done $0x0  }
0x10b: {  	s11 =	simm.s32 $0x0;
	[sflag:s28] =	ssyncadd.s32 $0xFFFFD000  }
0x10c: {  	v5 =	vld [tilespmem:s11+$0x12000]  }
0x10d: {  	v6 =	vld [tilespmem:s11+$0x12010]  }
0x10e: {  	v1 =	vld [tilespmem:s11+$0x12020]  }
0x10f: {  	v0 =	vld [tilespmem:s11+$0x12030]  }
0x110: {  	v2 =	vld [tilespmem:s11+$0x6000]  }
0x111: {  	v4 =	vld [tilespmem:s11+$0x6010]  }
0x112: {  	s12 =	simm.s32 $0x100;
	v3 =	vld [tilespmem:s11+$0x6020]  }
.LBB2_15:
0x113: {  	s14 =	sshra.s32 s12, $0x2;
	p0 =	sne.s32 s12, $0xBF00;
	v7 =	vld [tilespmem:s11+$0x6030];
	v8 =	vmov v1  }
0x114: {  	v9 =	vld [tilespmem:s14+$0x12000];
	v10 =	vmov v0  }
0x115: {  	v11 =	vld [tilespmem:s14+$0x12010];
	v2 =	vadd.f32 v5, v2  }
.Ltmp6:
0x116: {  	v1 =	vld [tilespmem:s14+$0x12020];
	v4 =	vadd.f32 v6, v4;
	(pc) =	sbr.rel @p0 .LBB2_15-.Ltmp6, $4  }
0x117: {  	v0 =	vld [tilespmem:s14+$0x12030];
	[tilespmem:s11+$0x6000] =	vst v2;
	v3 =	vadd.f32 v8, v3  }
0x118: {  	v2 =	vld [tilespmem:s14+$0x6000];
	[tilespmem:s11+$0x6010] =	vst v4;
	v7 =	vadd.f32 v10, v7  }
0x119: {  	v4 =	vld [tilespmem:s14+$0x6010];
	[tilespmem:s11+$0x6020] =	vst v3;
	v5 =	vmov v9  }
0x11a: {  	s12 =	sadd.s32 $0x100, s12;
	v3 =	vld [tilespmem:s14+$0x6020];
	[tilespmem:s11+$0x6030] =	vst v7;
	v6 =	vmov v11;
	s11 =	smov.u32 s14  }
0x11b: {  	v7 =	vld [tilespmem:s11+$0x6030];
	_ =	sdelay $0x1  }
0x11c: {  	v2 =	vadd.f32 v5, v2  }
0x11d: {  	v4 =	vadd.f32 v6, v4  }
0x11e: {  	[tilespmem:s11+$0x6000] =	vst v2;
	v1 =	vadd.f32 v1, v3  }
0x11f: {  	s12 =	sadd.s32 s9, s31;
	[tilespmem:s11+$0x6010] =	vst v4;
	v0 =	vadd.f32 v0, v7  }
0x120: {  	s12 =	sshrl.u32 s12, $0x3;
	[tilespmem:s11+$0x6020] =	vst v1  }
0x121: {  	s9 =	sadd.s32 $0x12000, s9;
	s14 =	sadd.s32 s7, s12;
	s12 =	simm.s32 $0x0;
	[tilespmem:s11+$0x6030] =	vst v0  }
0x122: {  	[hbm4b:s14+s12] =	stream.linear.scatter [tilespmem:s15], [sflag:$0xB], $0x3000, $0x38;
	[tilespmem:$0x18000] =	vst v63  }
0x123: {  	s14 =	sadd.s32 s4, s9;
	_ =	swait.ge [sflag:s29], $0x3000  }
0x124: {  	s9 =	sadd.s32 s5, s9;
	s11 =	sshrl.u32 s14, $0x3;
	[sflag:s29] =	ssyncset.done $0x0  }
0x125: {  	s9 =	sshrl.u32 s9, $0x3;
	s11 =	sadd.s32 s2, s11;
	[sflag:s29] =	ssyncadd.s32 $0xFFFFD000  }
0x126: {  	[tilespmem:s15], [sflag:$0x3] =	stream.linear.gather [hbm4b:s11+s12], $0x3000, $0x38;
	[tilespmem:$0x18000] =	vst v63  }
0x127: {  	s9 =	sadd.s32 s6, s9  }
0x128: {  	[tilespmem:s17], [sflag:$0x7] =	stream.linear.gather [hbm4b:s9+s12], $0x3000, $0x38;
	[tilespmem:$0x18000] =	vst v63  }
0x129: {  	_ =	swait.ge [sflag:s1], $0x3000  }
0x12a: {  	[sflag:s1] =	ssyncset.done $0x0  }
0x12b: {  	[sflag:s1] =	ssyncadd.s32 $0xFFFFD000  }
0x12c: {  	_ =	swait.ge [sflag:s0], $0x3000  }
0x12d: {  	[sflag:s0] =	ssyncset.done $0x0  }
0x12e: {  	s9 =	simm.s32 $0x0;
	[sflag:s0] =	ssyncadd.s32 $0xFFFFD000  }
0x12f: {  	v5 =	vld [tilespmem:s9+$0x15000]  }
0x130: {  	v6 =	vld [tilespmem:s9+$0x15010]  }
0x131: {  	v1 =	vld [tilespmem:s9+$0x15020]  }
0x132: {  	v0 =	vld [tilespmem:s9+$0x15030]  }
0x133: {  	v2 =	vld [tilespmem:s9+$0x9000]  }
0x134: {  	v4 =	vld [tilespmem:s9+$0x9010]  }
0x135: {  	s11 =	simm.s32 $0x100;
	v3 =	vld [tilespmem:s9+$0x9020]  }
.LBB2_17:
0x136: {  	s12 =	sshra.s32 s11, $0x2;
	p0 =	sne.s32 s11, $0xBF00;
	v7 =	vld [tilespmem:s9+$0x9030];
	v8 =	vmov v1  }
0x137: {  	v9 =	vld [tilespmem:s12+$0x15000];
	v10 =	vmov v0  }
0x138: {  	v11 =	vld [tilespmem:s12+$0x15010];
	v2 =	vadd.f32 v5, v2  }
.Ltmp7:
0x139: {  	v1 =	vld [tilespmem:s12+$0x15020];
	v4 =	vadd.f32 v6, v4;
	(pc) =	sbr.rel @p0 .LBB2_17-.Ltmp7, $4  }
0x13a: {  	v0 =	vld [tilespmem:s12+$0x15030];
	[tilespmem:s9+$0x9000] =	vst v2;
	v3 =	vadd.f32 v8, v3  }
0x13b: {  	v2 =	vld [tilespmem:s12+$0x9000];
	[tilespmem:s9+$0x9010] =	vst v4;
	v7 =	vadd.f32 v10, v7  }
0x13c: {  	v4 =	vld [tilespmem:s12+$0x9010];
	[tilespmem:s9+$0x9020] =	vst v3;
	v5 =	vmov v9  }
0x13d: {  	s11 =	sadd.s32 $0x100, s11;
	v3 =	vld [tilespmem:s12+$0x9020];
	[tilespmem:s9+$0x9030] =	vst v7;
	v6 =	vmov v11;
	s9 =	smov.u32 s12  }
0x13e: {  	v7 =	vld [tilespmem:s9+$0x9030];
	_ =	sdelay $0x1  }
0x13f: {  	s8 =	sadd.s32 $0x1, s8;
	v2 =	vadd.f32 v5, v2  }
0x140: {  	p0 =	sne.s32 s8, $0xF;
	v4 =	vadd.f32 v6, v4  }
.Ltmp8:
0x141: {  	[tilespmem:s9+$0x9000] =	vst v2;
	v1 =	vadd.f32 v1, v3;
	(pc) =	sbr.rel @p0 .LBB2_10-.Ltmp8, $4  }
0x142: {  	[tilespmem:s9+$0x9010] =	vst v4;
	v0 =	vadd.f32 v0, v7  }
0x143: {  	[tilespmem:s9+$0x9020] =	vst v1  }
0x144: {  	s16 =	sadd.s32 s7, s16;
	[tilespmem:s9+$0x9030] =	vst v0  }
0x145: {  	[hbm4b:s16+s3] =	stream.linear.scatter [tilespmem:s18], [sflag:$0xC], $0x3000, $0x38;
	[tilespmem:$0x18000] =	vst v63  }
0x146: {  	_ =	swait.ge [sflag:s10], $0x3000  }
0x147: {  	[sflag:s10] =	ssyncset.done $0x0  }
0x148: {  	s8 =	simm.s32 $0x0;
	s9 =	rddreg [dreg:$0x12];
	[sflag:s10] =	ssyncadd.s32 $0xFFFFD000  }
0x149: {  	[tilespmem:s18], [sflag:$0x4] =	stream.linear.gather [hbm4b:s9+s8], $0x3000, $0x38;
	[tilespmem:$0x18000] =	vst v63  }
0x14a: {  	s16 =	rddreg [dreg:$0x18]  }
0x14b: {  	[tilespmem:s19], [sflag:$0x8] =	stream.linear.gather [hbm4b:s16+s8], $0x3000, $0x38;
	[tilespmem:$0x18000] =	vst v63  }
0x14c: {  	_ =	swait.ge [sflag:s20], $0x3000  }
0x14d: {  	[sflag:s20] =	ssyncset.done $0x0  }
0x14e: {  	[sflag:s20] =	ssyncadd.s32 $0xFFFFD000  }
0x14f: {  	_ =	swait.ge [sflag:s21], $0x3000  }
0x150: {  	[sflag:s21] =	ssyncset.done $0x0  }
0x151: {  	s8 =	simm.s32 $0x0;
	[sflag:s21] =	ssyncadd.s32 $0xFFFFD000  }
0x152: {  	v5 =	vld [tilespmem:s8+$0xC000]  }
0x153: {  	v6 =	vld [tilespmem:s8+$0xC010]  }
0x154: {  	v1 =	vld [tilespmem:s8+$0xC020]  }
0x155: {  	v0 =	vld [tilespmem:s8+$0xC030]  }
0x156: {  	v2 =	vld [tilespmem:s8+$0x0]  }
0x157: {  	v4 =	vld [tilespmem:s8+$0x10]  }
0x158: {  	s9 =	simm.s32 $0x100;
	v3 =	vld [tilespmem:s8+$0x20]  }
.LBB2_20:
0x159: {  	s11 =	sshra.s32 s9, $0x2;
	p0 =	sne.s32 s9, $0xBF00;
	v7 =	vld [tilespmem:s8+$0x30];
	v8 =	vmov v1  }
0x15a: {  	v9 =	vld [tilespmem:s11+$0xC000];
	v10 =	vmov v0  }
0x15b: {  	v11 =	vld [tilespmem:s11+$0xC010];
	v2 =	vadd.f32 v5, v2  }
.Ltmp9:
0x15c: {  	v1 =	vld [tilespmem:s11+$0xC020];
	v4 =	vadd.f32 v6, v4;
	(pc) =	sbr.rel @p0 .LBB2_20-.Ltmp9, $4  }
0x15d: {  	v0 =	vld [tilespmem:s11+$0xC030];
	[tilespmem:s8+$0x0] =	vst v2;
	v3 =	vadd.f32 v8, v3  }
0x15e: {  	v2 =	vld [tilespmem:s11+$0x0];
	[tilespmem:s8+$0x10] =	vst v4;
	v7 =	vadd.f32 v10, v7  }
0x15f: {  	v4 =	vld [tilespmem:s11+$0x10];
	[tilespmem:s8+$0x20] =	vst v3;
	v5 =	vmov v9  }
0x160: {  	s9 =	sadd.s32 $0x100, s9;
	v3 =	vld [tilespmem:s11+$0x20];
	[tilespmem:s8+$0x30] =	vst v7;
	v6 =	vmov v11;
	s8 =	smov.u32 s11  }
0x161: {  	v7 =	vld [tilespmem:s8+$0x30];
	_ =	sdelay $0x1  }
0x162: {  	v2 =	vadd.f32 v5, v2  }
0x163: {  	v4 =	vadd.f32 v6, v4  }
0x164: {  	[tilespmem:s8+$0x0] =	vst v2;
	v1 =	vadd.f32 v1, v3  }
0x165: {  	[tilespmem:s8+$0x10] =	vst v4;
	v0 =	vadd.f32 v0, v7  }
0x166: {  	[tilespmem:s8+$0x20] =	vst v1  }
0x167: {  	s16 =	simm.s32 $0x0;
	s9 =	rddreg [dreg:$0x19];
	[tilespmem:s8+$0x30] =	vst v0  }
0x168: {  	[hbm4b:s9+s16] =	stream.linear.scatter [tilespmem:s16], [sflag:$0x9], $0x3000, $0x38;
	[tilespmem:$0x18000] =	vst v63  }
0x169: {  	_ =	swait.ge [sflag:s23], $0x3000  }
0x16a: {  	[sflag:s23] =	ssyncset.done $0x0  }
0x16b: {  	[sflag:s23] =	ssyncadd.s32 $0xFFFFD000  }
0x16c: {  	_ =	swait.ge [sflag:s24], $0x3000  }
0x16d: {  	[sflag:s24] =	ssyncset.done $0x0  }
0x16e: {  	s8 =	simm.s32 $0x0;
	[sflag:s24] =	ssyncadd.s32 $0xFFFFD000  }
0x16f: {  	v5 =	vld [tilespmem:s8+$0xF000]  }
0x170: {  	v6 =	vld [tilespmem:s8+$0xF010]  }
0x171: {  	v1 =	vld [tilespmem:s8+$0xF020]  }
0x172: {  	v0 =	vld [tilespmem:s8+$0xF030]  }
0x173: {  	v2 =	vld [tilespmem:s8+$0x3000]  }
0x174: {  	v4 =	vld [tilespmem:s8+$0x3010]  }
0x175: {  	s9 =	simm.s32 $0x100;
	v3 =	vld [tilespmem:s8+$0x3020]  }
.LBB2_22:
0x176: {  	s11 =	sshra.s32 s9, $0x2;
	p0 =	sne.s32 s9, $0xBF00;
	v7 =	vld [tilespmem:s8+$0x3030];
	v8 =	vmov v1  }
0x177: {  	v9 =	vld [tilespmem:s11+$0xF000];
	v10 =	vmov v0  }
0x178: {  	v11 =	vld [tilespmem:s11+$0xF010];
	v2 =	vadd.f32 v5, v2  }
.Ltmp10:
0x179: {  	v1 =	vld [tilespmem:s11+$0xF020];
	v4 =	vadd.f32 v6, v4;
	(pc) =	sbr.rel @p0 .LBB2_22-.Ltmp10, $4  }
0x17a: {  	v0 =	vld [tilespmem:s11+$0xF030];
	[tilespmem:s8+$0x3000] =	vst v2;
	v3 =	vadd.f32 v8, v3  }
0x17b: {  	v2 =	vld [tilespmem:s11+$0x3000];
	[tilespmem:s8+$0x3010] =	vst v4;
	v7 =	vadd.f32 v10, v7  }
0x17c: {  	v4 =	vld [tilespmem:s11+$0x3010];
	[tilespmem:s8+$0x3020] =	vst v3;
	v5 =	vmov v9  }
0x17d: {  	s9 =	sadd.s32 $0x100, s9;
	v3 =	vld [tilespmem:s11+$0x3020];
	[tilespmem:s8+$0x3030] =	vst v7;
	v6 =	vmov v11;
	s8 =	smov.u32 s11  }
0x17e: {  	v7 =	vld [tilespmem:s8+$0x3030];
	_ =	sdelay $0x1  }
0x17f: {  	v2 =	vadd.f32 v5, v2  }
0x180: {  	v4 =	vadd.f32 v6, v4  }
0x181: {  	[tilespmem:s8+$0x3000] =	vst v2;
	v1 =	vadd.f32 v1, v3  }
0x182: {  	[tilespmem:s8+$0x3010] =	vst v4;
	v0 =	vadd.f32 v0, v7  }
0x183: {  	[tilespmem:s8+$0x3020] =	vst v1  }
0x184: {  	s16 =	simm.s32 $0x0;
	s9 =	rddreg [dreg:$0x1a];
	[tilespmem:s8+$0x3030] =	vst v0  }
0x185: {  	[hbm4b:s9+s16] =	stream.linear.scatter [tilespmem:s13], [sflag:$0xA], $0x3000, $0x38;
	[tilespmem:$0x18000] =	vst v63  }
0x186: {  	_ =	swait.ge [sflag:s26], $0x3000  }
0x187: {  	[sflag:s26] =	ssyncset.done $0x0  }
0x188: {  	[sflag:s26] =	ssyncadd.s32 $0xFFFFD000  }
0x189: {  	_ =	swait.ge [sflag:s28], $0x3000  }
0x18a: {  	[sflag:s28] =	ssyncset.done $0x0  }
0x18b: {  	s8 =	simm.s32 $0x0;
	[sflag:s28] =	ssyncadd.s32 $0xFFFFD000  }
0x18c: {  	v5 =	vld [tilespmem:s8+$0x12000]  }
0x18d: {  	v6 =	vld [tilespmem:s8+$0x12010]  }
0x18e: {  	v1 =	vld [tilespmem:s8+$0x12020]  }
0x18f: {  	v0 =	vld [tilespmem:s8+$0x12030]  }
0x190: {  	v2 =	vld [tilespmem:s8+$0x6000]  }
0x191: {  	v4 =	vld [tilespmem:s8+$0x6010]  }
0x192: {  	s9 =	simm.s32 $0x100;
	v3 =	vld [tilespmem:s8+$0x6020]  }
.LBB2_24:
0x193: {  	s11 =	sshra.s32 s9, $0x2;
	p0 =	sne.s32 s9, $0xBF00;
	v7 =	vld [tilespmem:s8+$0x6030];
	v8 =	vmov v1  }
0x194: {  	v9 =	vld [tilespmem:s11+$0x12000];
	v10 =	vmov v0  }
0x195: {  	v11 =	vld [tilespmem:s11+$0x12010];
	v2 =	vadd.f32 v5, v2  }
.Ltmp11:
0x196: {  	v1 =	vld [tilespmem:s11+$0x12020];
	v4 =	vadd.f32 v6, v4;
	(pc) =	sbr.rel @p0 .LBB2_24-.Ltmp11, $4  }
0x197: {  	v0 =	vld [tilespmem:s11+$0x12030];
	[tilespmem:s8+$0x6000] =	vst v2;
	v3 =	vadd.f32 v8, v3  }
0x198: {  	v2 =	vld [tilespmem:s11+$0x6000];
	[tilespmem:s8+$0x6010] =	vst v4;
	v7 =	vadd.f32 v10, v7  }
0x199: {  	v4 =	vld [tilespmem:s11+$0x6010];
	[tilespmem:s8+$0x6020] =	vst v3;
	v5 =	vmov v9  }
0x19a: {  	s9 =	sadd.s32 $0x100, s9;
	v3 =	vld [tilespmem:s11+$0x6020];
	[tilespmem:s8+$0x6030] =	vst v7;
	v6 =	vmov v11;
	s8 =	smov.u32 s11  }
0x19b: {  	v7 =	vld [tilespmem:s8+$0x6030];
	_ =	sdelay $0x1  }
0x19c: {  	v2 =	vadd.f32 v5, v2  }
0x19d: {  	v4 =	vadd.f32 v6, v4  }
0x19e: {  	[tilespmem:s8+$0x6000] =	vst v2;
	v1 =	vadd.f32 v1, v3  }
0x19f: {  	[tilespmem:s8+$0x6010] =	vst v4;
	v0 =	vadd.f32 v0, v7  }
0x1a0: {  	[tilespmem:s8+$0x6020] =	vst v1  }
0x1a1: {  	s16 =	simm.s32 $0x0;
	s9 =	rddreg [dreg:$0x1b];
	[tilespmem:s8+$0x6030] =	vst v0  }
0x1a2: {  	[hbm4b:s9+s16] =	stream.linear.scatter [tilespmem:s15], [sflag:$0xB], $0x3000, $0x38;
	[tilespmem:$0x18000] =	vst v63  }
0x1a3: {  	_ =	swait.ge [sflag:s1], $0x3000  }
0x1a4: {  	[sflag:s1] =	ssyncset.done $0x0  }
0x1a5: {  	[sflag:s1] =	ssyncadd.s32 $0xFFFFD000  }
0x1a6: {  	_ =	swait.ge [sflag:s0], $0x3000  }
0x1a7: {  	[sflag:s0] =	ssyncset.done $0x0  }
0x1a8: {  	s8 =	simm.s32 $0x0;
	[sflag:s0] =	ssyncadd.s32 $0xFFFFD000  }
0x1a9: {  	v5 =	vld [tilespmem:s8+$0x15000]  }
0x1aa: {  	v6 =	vld [tilespmem:s8+$0x15010]  }
0x1ab: {  	v1 =	vld [tilespmem:s8+$0x15020]  }
0x1ac: {  	v0 =	vld [tilespmem:s8+$0x15030]  }
0x1ad: {  	v2 =	vld [tilespmem:s8+$0x9000]  }
0x1ae: {  	v4 =	vld [tilespmem:s8+$0x9010]  }
0x1af: {  	s9 =	simm.s32 $0x100;
	v3 =	vld [tilespmem:s8+$0x9020]  }
.LBB2_26:
0x1b0: {  	s11 =	sshra.s32 s9, $0x2;
	p0 =	sne.s32 s9, $0xBF00;
	v7 =	vld [tilespmem:s8+$0x9030];
	v8 =	vmov v1  }
0x1b1: {  	v9 =	vld [tilespmem:s11+$0x15000];
	v10 =	vmov v0  }
0x1b2: {  	v11 =	vld [tilespmem:s11+$0x15010];
	v2 =	vadd.f32 v5, v2  }
.Ltmp12:
0x1b3: {  	v1 =	vld [tilespmem:s11+$0x15020];
	v4 =	vadd.f32 v6, v4;
	(pc) =	sbr.rel @p0 .LBB2_26-.Ltmp12, $4  }
0x1b4: {  	v0 =	vld [tilespmem:s11+$0x15030];
	[tilespmem:s8+$0x9000] =	vst v2;
	v3 =	vadd.f32 v8, v3  }
0x1b5: {  	v2 =	vld [tilespmem:s11+$0x9000];
	[tilespmem:s8+$0x9010] =	vst v4;
	v7 =	vadd.f32 v10, v7  }
0x1b6: {  	v4 =	vld [tilespmem:s11+$0x9010];
	[tilespmem:s8+$0x9020] =	vst v3;
	v5 =	vmov v9  }
0x1b7: {  	s9 =	sadd.s32 $0x100, s9;
	v3 =	vld [tilespmem:s11+$0x9020];
	[tilespmem:s8+$0x9030] =	vst v7;
	v6 =	vmov v11;
	s8 =	smov.u32 s11  }
0x1b8: {  	v7 =	vld [tilespmem:s8+$0x9030];
	_ =	sdelay $0x1  }
0x1b9: {  	v2 =	vadd.f32 v5, v2  }
0x1ba: {  	v4 =	vadd.f32 v6, v4  }
0x1bb: {  	[tilespmem:s8+$0x9000] =	vst v2;
	v1 =	vadd.f32 v1, v3  }
0x1bc: {  	[tilespmem:s8+$0x9010] =	vst v4;
	v0 =	vadd.f32 v0, v7  }
0x1bd: {  	[tilespmem:s8+$0x9020] =	vst v1  }
0x1be: {  	s14 =	rddreg [dreg:$0x13];
	[tilespmem:s8+$0x9030] =	vst v0  }
0x1bf: {  	[hbm4b:s14+s3] =	stream.linear.scatter [tilespmem:s18], [sflag:$0xC], $0x3000, $0x38;
	[tilespmem:$0x18000] =	vst v63  }
0x1c0: {  	_ =	swait.ge [sflag:s22], $0x3000  }
0x1c1: {  	[sflag:s22] =	ssyncset.done $0x0  }
0x1c2: {  	[sflag:s22] =	ssyncadd.s32 $0xFFFFD000  }
0x1c3: {  	_ =	swait.ge [sflag:s25], $0x3000  }
0x1c4: {  	[sflag:s25] =	ssyncset.done $0x0  }
0x1c5: {  	[sflag:s25] =	ssyncadd.s32 $0xFFFFD000  }
0x1c6: {  	_ =	swait.ge [sflag:s29], $0x3000  }
0x1c7: {  	[sflag:s29] =	ssyncset.done $0x0  }
0x1c8: {  	[sflag:s29] =	ssyncadd.s32 $0xFFFFD000  }
0x1c9: {  	_ =	swait.ge [sflag:s10], $0x3000  }
0x1ca: {  	s9 =	rddreg [dreg:$0x1c]  }
0x1cb: {  	s16 =	rddreg [dreg:$0x14];
	s9 =	sadd.s32 $0x1, s9  }
0x1cc: {  	p0 =	sne.s32 s9, s16  }
.Ltmp13:
0x1cd: {  	_ = 	snop;
	(pc) =	sbr.rel @p0 .LBB2_1-.Ltmp13, $3  }
0x1ce: {  	_ =	sdelay $0x1  }
0x1cf: {  	[sflag:s10] =	ssyncset.done $0x0  }
0x1d0: {  	[sflag:s10] =	ssyncadd.s32 $0xFFFFD000  }
0x1d1: {  	_ =	sfence.sel $0x180000  }
0x1d2: {  	[bflag:$0x0] =	sbarrier.arrive $0xFFFF  }
0x1d3: {  	_ =	strace $0x90000047  }
0x1d4: {  	s0 =	stileid.u32;
	[bflag:$0x2] =	sbarrier.arrive $0xFFFF  }
0x1d5: {  	p0 =	sne.s32 s0, $0x0;
	s0 =	rddreg [dreg:$0x2]  }
0x1d6: {  	s0 =	sadd.s32 @!p0 $0x100000, s0  }
0x1d7: {  	[sflag:s0] =	ssyncadd.tile.s32 @!p0 $0x1;
	_ =	shalt  }
.Lfunc_end2:
_tile_overlayer_lowered:
.L_overlay_start_2:
0x1d8: {  	(tag) =	ssettag $0x2  }
0x1d9: {  	s0 =	rddreg [dreg:$0x0];
	s2 =	stileid.u32  }
0x1da: {  	s1 =	rddreg [dreg:$0x1];
	p0 =	sne.s32 s2, $0x0  }
0x1db: {  	s3 =	rddreg [dreg:$0x2];
	[bflag:$0x3] =	sbarrier.arrive $0xFFFF;
	s2 =	simm.s32 @!p0 $0x1C0D  }
0x1dc: {  	[timem:s3], [sflag:s2] =	dma.local @!p0 [hbm:s0], s1  }
0x1dd: {  	s0 =	simm.s32 @!p0 $0xD  }
0x1de: {  	_ =	swait.ge @!p0 [sflag:s0], s1  }
0x1df: {  	s1 =	ssub.s32 @!p0 $0x0, s1;
	[sflag:s0] =	ssyncset.done @!p0 $0x0  }
0x1e0: {  	[sflag:s0] =	ssyncadd.s32 @!p0 s1  }
0x1e1: {  	[bflag:$0x3] =	sbarrier.arrive $0xFFFF  }
0x1e2: {  	_ =	shalt  }

</sc_bundles>
